<compile_context>
chip_gen: v7x
topology: tpu7x:2x2x1
jax: 0.10.2.dev20260603
libtpu: 0.0.44.dev20260713+nightly
codegen_flags: <defaults>
</compile_context>

<pallas_src>
import functools

import jax
import jax.numpy as jnp
from jax import lax
from jax.experimental import pallas as pl
from jax.experimental.pallas import tpu as pltpu
from jax.experimental.pallas import tpu_sc as plsc

L = 16

TAI_QMAX = 2047
LOG_QMAX = 4095
TAI_SHIFT = 16
FLUSH = 4
LOW_MASK = (1 << TAI_SHIFT) - 1
KEY_MASK = 0xFFF


def _tc_pack_call(B, W):
  wq = W // 4
  rows_blk = 256

  def body(x_ref, o_ref):
    a = x_ref[:, pl.ds(0, wq)]
    b = x_ref[:, pl.ds(wq, wq)]
    c = x_ref[:, pl.ds(2 * wq, wq)]
    d = x_ref[:, pl.ds(3 * wq, wq)]
    lo = a | (b << 6)
    hi = c | (d << 6)
    o_ref[...] = lo | (hi << 16)

  return pl.pallas_call(
      body,
      grid=(B // rows_blk,),
      in_specs=[pl.BlockSpec((rows_blk, W), lambda i: (i, 0))],
      out_specs=pl.BlockSpec((rows_blk, wq), lambda i: (i, 0)),
      out_shape=jax.ShapeDtypeStruct((B, wq), jnp.int32),
  )


def _make_sc_call(B, W4, num_workers):
  rows_per = B // num_workers
  ch = L
  nchunks = rows_per // ch
  ws = W4
  mesh = plsc.VectorSubcoreMesh(core_axis_name="c", subcore_axis_name="s")
  info = plsc.get_sparse_core_info()
  nc = info.num_cores

  @functools.partial(
      pl.kernel,
      mesh=mesh,
      compiler_params=pltpu.CompilerParams(needs_layout_passes=False),
      out_type=[
          jax.ShapeDtypeStruct((B,), jnp.float32),
          jax.ShapeDtypeStruct((B,), jnp.float32),
      ],
      scratch_types=[
          pltpu.VMEM((64 * 64,), jnp.int32),
          pltpu.VMEM((L,), jnp.float32),
          pltpu.VMEM((ch, ws), jnp.int32),
          pltpu.VMEM((ch, ws), jnp.int32),
          pltpu.VMEM((rows_per,), jnp.float32),
          pltpu.VMEM((rows_per,), jnp.float32),
          pltpu.SemaphoreType.DMA,
          pltpu.SemaphoreType.DMA,
      ],
  )
  def sc_kernel(idx_hbm, lut_hbm, par_hbm, tai_hbm, cai_hbm,
                lut_v, par_v, buf0, buf1, ot_v, oc_v, sem0, sem1):
    wid = lax.axis_index("s") * nc + lax.axis_index("c")
    base = wid * rows_per
    pltpu.sync_copy(lut_hbm, lut_v)
    pltpu.sync_copy(par_hbm, par_v)
    bufs = (buf0, buf1)
    sems = (sem0, sem1)

    pv = par_v[pl.ds(0, L)]
    c_tai = pv[0]
    c_log = pv[1]
    row_iota = lax.iota(jnp.int32, L)

    def start_chunk(c, slot):
      pltpu.async_copy(idx_hbm.at[pl.ds(base + c * ch, ch)], bufs[slot],
                       sems[slot])

    def wait_chunk(c, slot):
      pltpu.make_async_copy(idx_hbm.at[pl.ds(base + c * ch, ch)], bufs[slot],
                            sems[slot]).wait()

    start_chunk(0, 0)

    def pair_body(c2, _):
      for slot in range(2):
        c = c2 * 2 + slot
        wait_chunk(c, slot)

        @pl.when(c + 1 < nchunks)
        def _(c=c, slot=slot):
          start_chunk(c + 1, 1 - slot)

        zero = jnp.zeros((L,), jnp.int32)
        buf = bufs[slot]

        @plsc.parallel_loop(0, W4 // FLUSH, unroll=4, carry=(zero, zero))
        def accs(j, acc, buf=buf):
          acc_t, acc_q = acc
          col0 = j * FLUSH
          raw = jnp.zeros((L,), jnp.int32)
          for u in range(FLUSH):
            colv = jnp.full((L,), col0, jnp.int32) | u
            w = plsc.load_gather(buf, [row_iota, colv])
            raw = raw + plsc.load_gather(lut_v, [w & jnp.int32(KEY_MASK)])
            raw = raw + plsc.load_gather(
                lut_v, [lax.shift_right_logical(w, 16) & jnp.int32(KEY_MASK)])
          acc_t = acc_t + lax.shift_right_logical(raw, TAI_SHIFT)
          acc_q = acc_q + lax.bitwise_and(raw, jnp.int32(LOW_MASK))
          return (acc_t, acc_q)

        acc_t, acc_q = accs
        ot_v[pl.ds(c * ch, L)] = acc_t.astype(jnp.float32) * c_tai
        oc_v[pl.ds(c * ch, L)] = jnp.exp(acc_q.astype(jnp.float32) * c_log)
      return 0

    lax.fori_loop(0, nchunks // 2, pair_body, 0)
    pltpu.sync_copy(ot_v, tai_hbm.at[pl.ds(base, rows_per)])
    pltpu.sync_copy(oc_v, cai_hbm.at[pl.ds(base, rows_per)])

  return sc_kernel


def kernel(codon_indices, usage_freqs, tai_weights):
  B, W = codon_indices.shape
  info = plsc.get_sparse_core_info()
  num_workers = info.num_cores * info.num_subcores

  neg_log = -jnp.log(usage_freqs / jnp.max(usage_freqs) + 1e-8)
  neg_log = jnp.maximum(neg_log, 0.0)
  qscale = LOG_QMAX / jnp.maximum(jnp.max(neg_log), 1e-30)
  qlog = jnp.clip(jnp.round(neg_log * qscale), 0, LOG_QMAX).astype(jnp.int32)
  tmax = jnp.maximum(jnp.max(tai_weights), 1e-30)
  qtai = jnp.clip(jnp.round(tai_weights * (TAI_QMAX / tmax)), 0,
                  TAI_QMAX).astype(jnp.int32)
  packed = jnp.bitwise_or(jnp.left_shift(qtai, TAI_SHIFT), qlog)
  pair_lut = (packed[None, :] + packed[:, None]).reshape(-1)

  c_tai = tmax / (TAI_QMAX * float(W))
  c_log = -1.0 / (qscale * float(W))
  params = jnp.zeros((L,), jnp.float32).at[0].set(c_tai).at[1].set(c_log)

  packed_words = _tc_pack_call(B, W)(codon_indices)
  sc_call = _make_sc_call(B, W // 4, num_workers)
  tai, cai = sc_call(packed_words, pair_lut, params)
  return tai, cai

# --- scband reference (transcript-rebuilt; emitter-appended) ---
"""Pipeline reference for scband-codon-optimality-score-12335146074813 (READ-ONLY COPY).

The authoritative reference and input builder live on the scoring server;
editing this copy changes nothing except your own understanding.
"""

import jax, jax.numpy as jnp
import numpy as np

CODON_USAGE_HUMAN = {'TTT': 17.6, 'TTC': 20.3, 'TTA': 7.7, 'TTG': 12.9, 'CTT': 13.2, 'CTC': 19.6, 'CTA': 7.2, 'CTG': 39.6, 'ATT': 16.0, 'ATC': 20.8, 'ATA': 7.5, 'ATG': 22.0, 'GTT': 11.0, 'GTC': 14.5, 'GTA': 7.1, 'GTG': 28.1, 'TCT': 15.2, 'TCC': 17.7, 'TCA': 12.2, 'TCG': 4.4, 'AGT': 12.1, 'AGC': 19.5, 'CCT': 17.5, 'CCC': 19.8, 'CCA': 16.9, 'CCG': 6.9, 'ACT': 13.1, 'ACC': 18.9, 'ACA': 15.1, 'ACG': 6.1, 'GCT': 18.4, 'GCC': 27.7, 'GCA': 15.8, 'GCG': 7.4, 'TAT': 12.2, 'TAC': 15.3, 'TAA': 1.0, 'TAG': 0.8, 'TGA': 1.6, 'CAT': 10.9, 'CAC': 15.1, 'CAA': 12.3, 'CAG': 34.2, 'AAT': 17.0, 'AAC': 19.1, 'AAA': 24.4, 'AAG': 31.9, 'GAT': 21.8, 'GAC': 25.1, 'GAA': 29.0, 'GAG': 39.6, 'TGT': 10.6, 'TGC': 12.6, 'TGG': 13.2, 'CGT': 4.5, 'CGC': 10.4, 'CGA': 6.2, 'CGG': 11.4, 'AGA': 12.2, 'AGG': 12.0, 'GGT': 10.8, 'GGC': 22.2, 'GGA': 16.5, 'GGG': 16.5}

TRNA_COPY_NUMBERS_HUMAN = {'TTT': 7, 'TTC': 10, 'TTA': 2, 'TTG': 4, 'CTT': 5, 'CTC': 8, 'CTA': 2, 'CTG': 12, 'ATT': 6, 'ATC': 8, 'ATA': 3, 'ATG': 10, 'GTT': 4, 'GTC': 6, 'GTA': 3, 'GTG': 10, 'TCT': 5, 'TCC': 7, 'TCA': 4, 'TCG': 2, 'AGT': 4, 'AGC': 8, 'CCT': 6, 'CCC': 8, 'CCA': 6, 'CCG': 2, 'ACT': 5, 'ACC': 8, 'ACA': 5, 'ACG': 2, 'GCT': 7, 'GCC': 10, 'GCA': 5, 'GCG': 3, 'TAT': 5, 'TAC': 7, 'TAA': 0, 'TAG': 0, 'TGA': 0, 'CAT': 4, 'CAC': 6, 'CAA': 5, 'CAG': 10, 'AAT': 6, 'AAC': 8, 'AAA': 8, 'AAG': 10, 'GAT': 8, 'GAC': 10, 'GAA': 10, 'GAG': 12, 'TGT': 4, 'TGC': 5, 'TGG': 5, 'CGT': 2, 'CGC': 4, 'CGA': 2, 'CGG': 4, 'AGA': 5, 'AGG': 5, 'GGT': 4, 'GGC': 8, 'GGA': 6, 'GGG': 6}

def get_codon_triplet(idx):
    bases = 'TCAG'
    return bases[(idx >> 4) & 3] + bases[(idx >> 2) & 3] + bases[idx & 3]

def setup_inputs(seed: int = 0):
    key = jax.random.key(seed)
    codon_indices = jax.random.randint(key, (16384, 2048), 0, 64, dtype=jnp.int32)
    usage_freqs = jnp.array([CODON_USAGE_HUMAN.get(get_codon_triplet(i), 1.0) for i in range(64)], dtype=jnp.float32)
    tw = jnp.array([TRNA_COPY_NUMBERS_HUMAN.get(get_codon_triplet(i), 1) for i in range(64)], dtype=jnp.float32)
    tai_weights = tw / tw.max()
    return {"codon_indices": codon_indices, "usage_freqs": usage_freqs, "tai_weights": tai_weights}

def reference(codon_indices, usage_freqs, tai_weights):
    idx = jnp.clip(codon_indices, 0, 63)
    tai = jnp.take(tai_weights, idx, axis=0).mean(axis=-1)
    freqs = jnp.take(usage_freqs, idx, axis=0)
    max_freq = usage_freqs.max()
    rel_freq = freqs / max_freq
    log_rel = jnp.log(rel_freq + 1e-08)
    cai = jnp.exp(log_rel.mean(axis=-1))
    return (tai, cai)

if __name__ == "__main__":
    import jax
    _d = setup_inputs()
    print(jax.jit(kernel)(*tuple(_d.values())))

</pallas_src>

<mosaic_0001>
#map = affine_map<(d0, d1) -> (0, 0)>
#map1 = affine_map<(d0, d1) -> (0)>
module attributes {stable_mosaic.version = 14 : i64} {
  func.func @sc_kernel(%arg0: i32, %arg1: i32, %arg2: memref<16384x512xi32, #tpu.memory_space<hbm>>, %arg3: memref<4096xi32, #tpu.memory_space<hbm>>, %arg4: memref<16xf32, #tpu.memory_space<hbm>>, %arg5: memref<16384xf32, #tpu.memory_space<hbm>>, %arg6: memref<16384xf32, #tpu.memory_space<hbm>>, %arg7: memref<4096xi32, #tpu.memory_space<vmem>>, %arg8: memref<16xf32, #tpu.memory_space<vmem>>, %arg9: memref<16x512xi32, #tpu.memory_space<vmem>>, %arg10: memref<16x512xi32, #tpu.memory_space<vmem>>, %arg11: memref<512xf32, #tpu.memory_space<vmem>>, %arg12: memref<512xf32, #tpu.memory_space<vmem>>, %arg13: memref<!tpu.dma_semaphore, #tpu.memory_space<semaphore_mem>>, %arg14: memref<!tpu.dma_semaphore, #tpu.memory_space<semaphore_mem>>) attributes {dimension_semantics = [#tpu.dimension_semantics<core_parallel>, #tpu.dimension_semantics<subcore_parallel>], iteration_bounds = array<i64: 2, 16>, scalar_prefetch = 0 : i64, scratch_operands = 8 : i64, tpu.core_type = #tpu.core_type<sc_vector_subcore>, window_params = [{transform_indices = #map}, {transform_indices = #map1}, {transform_indices = #map1}, {transform_indices = #map1}, {transform_indices = #map1}]} {
    %mul3A = arith.constant 2 : i32
    %mul3A_0 = arith.muli %arg1, %mul3A : i32
    %add3A = arith.addi %mul3A_0, %arg0 : i32
    %mul3A_1 = arith.constant 512 : i32
    %mul3A_2 = arith.muli %add3A, %mul3A_1 : i32
    "tpu.region"() ({
      %run_scoped3A = tpu.sem_alloc : memref<!tpu.dma_semaphore, #tpu.memory_space<semaphore_mem>>
      tpu.enqueue_dma source(%arg3 : memref<4096xi32, #tpu.memory_space<hbm>>) target(%arg7 : memref<4096xi32, #tpu.memory_space<vmem>>) target_semaphore(%run_scoped3A : memref<!tpu.dma_semaphore, #tpu.memory_space<semaphore_mem>>)
      tpu.wait_dma2 semaphore(%run_scoped3A : memref<!tpu.dma_semaphore, #tpu.memory_space<semaphore_mem>>) src(%arg3 : memref<4096xi32, #tpu.memory_space<hbm>>) dst(%arg7 : memref<4096xi32, #tpu.memory_space<vmem>>)
      tpu.yield
    }) : () -> ()
    "tpu.region"() ({
      %run_scoped3A = tpu.sem_alloc : memref<!tpu.dma_semaphore, #tpu.memory_space<semaphore_mem>>
      tpu.enqueue_dma source(%arg4 : memref<16xf32, #tpu.memory_space<hbm>>) target(%arg8 : memref<16xf32, #tpu.memory_space<vmem>>) target_semaphore(%run_scoped3A : memref<!tpu.dma_semaphore, #tpu.memory_space<semaphore_mem>>)
      tpu.wait_dma2 semaphore(%run_scoped3A : memref<!tpu.dma_semaphore, #tpu.memory_space<semaphore_mem>>) src(%arg4 : memref<16xf32, #tpu.memory_space<hbm>>) dst(%arg8 : memref<16xf32, #tpu.memory_space<vmem>>)
      tpu.yield
    }) : () -> ()
    %get3A = arith.constant 0 : index
    %get3A_3 = tpu.vector_load %arg8[%get3A] {strides = array<i32>} : memref<16xf32, #tpu.memory_space<vmem>>, vector<16xf32>,
    %slice3A = vector.extract_strided_slice %get3A_3 {offsets = [0], sizes = [1], strides = [1]} : vector<16xf32> to vector<1xf32>
    %squeeze3A = vector.extract %slice3A[0] : f32 from vector<1xf32>
    %slice3A_4 = vector.extract_strided_slice %get3A_3 {offsets = [1], sizes = [1], strides = [1]} : vector<16xf32> to vector<1xf32>
    %squeeze3A_5 = vector.extract %slice3A_4[0] : f32 from vector<1xf32>
    %iota3A = tpu.iota {dimensions = array<i32: 0>} : vector<16xi32>
    %add3A_6 = arith.constant 0 : i32
    %add3A_7 = arith.addi %mul3A_2, %add3A_6 : i32
    %dma_start3A = arith.constant 0 : i32
    %dma_start3A_8 = tpu.memref_slice %arg2[%add3A_7, %dma_start3A] : memref<16384x512xi32, #tpu.memory_space<hbm>> -> memref<16x512xi32, #tpu.memory_space<hbm>>
    %dma_start3A_9 = arith.constant 0 : i32
    %dma_start3A_10 = tpu.memref_slice %arg2[%add3A_7, %dma_start3A_9] : memref<16384x512xi32, #tpu.memory_space<hbm>> -> memref<16x512xi32, #tpu.memory_space<hbm>>
    tpu.enqueue_dma source(%dma_start3A_10 : memref<16x512xi32, #tpu.memory_space<hbm>>) target(%arg9 : memref<16x512xi32, #tpu.memory_space<vmem>>) target_semaphore(%arg13 : memref<!tpu.dma_semaphore, #tpu.memory_space<semaphore_mem>>)
    %scan3A = arith.constant 0 : i32
    %scan3A_11 = arith.constant 0 : i32
    %scan3A_12 = arith.constant 16 : i32
    %scan3A_13 = arith.addi %scan3A_11, %scan3A_12 : i32
    %scan3A_14 = arith.constant 1 : i32
    %scan3A_15 = scf.for %scan3A_17 = %scan3A_11 to %scan3A_13 step %scan3A_14 iter_args(%scan3A_18 = %scan3A) -> (i32)  : i32 {
      %mul3A_19 = arith.constant 2 : i32
      %mul3A_20 = arith.muli %scan3A_17, %mul3A_19 : i32
      %add3A_21 = arith.constant 0 : i32
      %add3A_22 = arith.addi %mul3A_20, %add3A_21 : i32
      %mul3A_23 = arith.constant 16 : i32
      %mul3A_24 = arith.muli %add3A_22, %mul3A_23 : i32
      %add3A_25 = arith.addi %mul3A_2, %mul3A_24 : i32
      %dma_wait3A = arith.constant 0 : i32
      %dma_wait3A_26 = tpu.memref_slice %arg2[%add3A_25, %dma_wait3A] : memref<16384x512xi32, #tpu.memory_space<hbm>> -> memref<16x512xi32, #tpu.memory_space<hbm>>
      %dma_wait3A_27 = arith.constant 0 : i32
      %dma_wait3A_28 = tpu.memref_slice %arg2[%add3A_25, %dma_wait3A_27] : memref<16384x512xi32, #tpu.memory_space<hbm>> -> memref<16x512xi32, #tpu.memory_space<hbm>>
      tpu.wait_dma2 semaphore(%arg13 : memref<!tpu.dma_semaphore, #tpu.memory_space<semaphore_mem>>) src(%dma_wait3A_28 : memref<16x512xi32, #tpu.memory_space<hbm>>) dst(%arg9 : memref<16x512xi32, #tpu.memory_space<vmem>>)
      %add3A_29 = arith.constant 1 : i32
      %add3A_30 = arith.addi %add3A_22, %add3A_29 : i32
      %lt3A = arith.constant 32 : i32
      %lt3A_31 = arith.cmpi slt, %add3A_30, %lt3A : i32
      %convert_element_type3A = arith.extui %lt3A_31 : i1 to i32
      %cond3A = arith.constant 0 : i32
      %cond3A_32 = arith.cmpi ne, %convert_element_type3A, %cond3A : i32
      scf.if %cond3A_32 {
        %add3A_90 = arith.constant 1 : i32
        %add3A_91 = arith.addi %add3A_22, %add3A_90 : i32
        %mul3A_92 = arith.constant 16 : i32
        %mul3A_93 = arith.muli %add3A_91, %mul3A_92 : i32
        %add3A_94 = arith.addi %mul3A_2, %mul3A_93 : i32
        %dma_start3A_95 = arith.constant 0 : i32
        %dma_start3A_96 = tpu.memref_slice %arg2[%add3A_94, %dma_start3A_95] : memref<16384x512xi32, #tpu.memory_space<hbm>> -> memref<16x512xi32, #tpu.memory_space<hbm>>
        %dma_start3A_97 = arith.constant 0 : i32
        %dma_start3A_98 = tpu.memref_slice %arg2[%add3A_94, %dma_start3A_97] : memref<16384x512xi32, #tpu.memory_space<hbm>> -> memref<16x512xi32, #tpu.memory_space<hbm>>
        tpu.enqueue_dma source(%dma_start3A_98 : memref<16x512xi32, #tpu.memory_space<hbm>>) target(%arg10 : memref<16x512xi32, #tpu.memory_space<vmem>>) target_semaphore(%arg14 : memref<!tpu.dma_semaphore, #tpu.memory_space<semaphore_mem>>)
      } else {
      }
      %broadcast_in_dim3A = arith.constant 0 : i32
      %broadcast_in_dim3A_33 = vector.broadcast %broadcast_in_dim3A : i32 to vector<16xi32>
      %parallel_loop3A = arith.constant 0 : i32
      %parallel_loop3A_34 = arith.constant 128 : i32
      %parallel_loop3A_35 = arith.constant 1 : i32
      %parallel_loop3A_36:2 = scf.for %parallel_loop3A_90 = %parallel_loop3A to %parallel_loop3A_34 step %parallel_loop3A_35 iter_args(%parallel_loop3A_91 = %broadcast_in_dim3A_33, %parallel_loop3A_92 = %broadcast_in_dim3A_33) -> (vector<16xi32>, vector<16xi32>)  : i32 {
        %parallel_loop3A_93 = arith.constant 4 : i32
        %parallel_loop3A_94 = arith.muli %parallel_loop3A_90, %parallel_loop3A_93 : i32
        %parallel_loop3A_95 = arith.constant 0 : i32
        %parallel_loop3A_96 = vector.broadcast %parallel_loop3A_95 : i32 to vector<16xi32>
        %parallel_loop3A_97 = vector.broadcast %parallel_loop3A_94 : i32 to vector<16xi32>
        %parallel_loop3A_98 = arith.constant 0 : i32
        %parallel_loop3A_99 = vector.broadcast %parallel_loop3A_98 : i32 to vector<16xi32>
        %parallel_loop3A_100 = arith.ori %parallel_loop3A_97, %parallel_loop3A_99 : vector<16xi32>
        %parallel_loop3A_101 = tpu.vector_load_idx %arg9[%iota3A, %parallel_loop3A_100] : memref<16x512xi32, #tpu.memory_space<vmem>>[vector<16xi32>, vector<16xi32>], vector<16xi32>,
        %parallel_loop3A_102 = arith.constant 4095 : i32
        %parallel_loop3A_103 = vector.broadcast %parallel_loop3A_102 : i32 to vector<16xi32>
        %parallel_loop3A_104 = arith.andi %parallel_loop3A_101, %parallel_loop3A_103 : vector<16xi32>
        %parallel_loop3A_105 = tpu.vector_load_idx %arg7[%parallel_loop3A_104] : memref<4096xi32, #tpu.memory_space<vmem>>[vector<16xi32>], vector<16xi32>,
        %parallel_loop3A_106 = arith.addi %parallel_loop3A_96, %parallel_loop3A_105 : vector<16xi32>
        %parallel_loop3A_107 = arith.constant 16 : i32
        %parallel_loop3A_108 = vector.broadcast %parallel_loop3A_107 : i32 to vector<16xi32>
        %parallel_loop3A_109 = arith.shrui %parallel_loop3A_101, %parallel_loop3A_108 : vector<16xi32>
        %parallel_loop3A_110 = arith.constant 4095 : i32
        %parallel_loop3A_111 = vector.broadcast %parallel_loop3A_110 : i32 to vector<16xi32>
        %parallel_loop3A_112 = arith.andi %parallel_loop3A_109, %parallel_loop3A_111 : vector<16xi32>
        %parallel_loop3A_113 = tpu.vector_load_idx %arg7[%parallel_loop3A_112] : memref<4096xi32, #tpu.memory_space<vmem>>[vector<16xi32>], vector<16xi32>,
        %parallel_loop3A_114 = arith.addi %parallel_loop3A_106, %parallel_loop3A_113 : vector<16xi32>
        %parallel_loop3A_115 = vector.broadcast %parallel_loop3A_94 : i32 to vector<16xi32>
        %parallel_loop3A_116 = arith.constant 1 : i32
        %parallel_loop3A_117 = vector.broadcast %parallel_loop3A_116 : i32 to vector<16xi32>
        %parallel_loop3A_118 = arith.ori %parallel_loop3A_115, %parallel_loop3A_117 : vector<16xi32>
        %parallel_loop3A_119 = tpu.vector_load_idx %arg9[%iota3A, %parallel_loop3A_118] : memref<16x512xi32, #tpu.memory_space<vmem>>[vector<16xi32>, vector<16xi32>], vector<16xi32>,
        %parallel_loop3A_120 = arith.constant 4095 : i32
        %parallel_loop3A_121 = vector.broadcast %parallel_loop3A_120 : i32 to vector<16xi32>
        %parallel_loop3A_122 = arith.andi %parallel_loop3A_119, %parallel_loop3A_121 : vector<16xi32>
        %parallel_loop3A_123 = tpu.vector_load_idx %arg7[%parallel_loop3A_122] : memref<4096xi32, #tpu.memory_space<vmem>>[vector<16xi32>], vector<16xi32>,
        %parallel_loop3A_124 = arith.addi %parallel_loop3A_114, %parallel_loop3A_123 : vector<16xi32>
        %parallel_loop3A_125 = arith.constant 16 : i32
        %parallel_loop3A_126 = vector.broadcast %parallel_loop3A_125 : i32 to vector<16xi32>
        %parallel_loop3A_127 = arith.shrui %parallel_loop3A_119, %parallel_loop3A_126 : vector<16xi32>
        %parallel_loop3A_128 = arith.constant 4095 : i32
        %parallel_loop3A_129 = vector.broadcast %parallel_loop3A_128 : i32 to vector<16xi32>
        %parallel_loop3A_130 = arith.andi %parallel_loop3A_127, %parallel_loop3A_129 : vector<16xi32>
        %parallel_loop3A_131 = tpu.vector_load_idx %arg7[%parallel_loop3A_130] : memref<4096xi32, #tpu.memory_space<vmem>>[vector<16xi32>], vector<16xi32>,
        %parallel_loop3A_132 = arith.addi %parallel_loop3A_124, %parallel_loop3A_131 : vector<16xi32>
        %parallel_loop3A_133 = vector.broadcast %parallel_loop3A_94 : i32 to vector<16xi32>
        %parallel_loop3A_134 = arith.constant 2 : i32
        %parallel_loop3A_135 = vector.broadcast %parallel_loop3A_134 : i32 to vector<16xi32>
        %parallel_loop3A_136 = arith.ori %parallel_loop3A_133, %parallel_loop3A_135 : vector<16xi32>
        %parallel_loop3A_137 = tpu.vector_load_idx %arg9[%iota3A, %parallel_loop3A_136] : memref<16x512xi32, #tpu.memory_space<vmem>>[vector<16xi32>, vector<16xi32>], vector<16xi32>,
        %parallel_loop3A_138 = arith.constant 4095 : i32
        %parallel_loop3A_139 = vector.broadcast %parallel_loop3A_138 : i32 to vector<16xi32>
        %parallel_loop3A_140 = arith.andi %parallel_loop3A_137, %parallel_loop3A_139 : vector<16xi32>
        %parallel_loop3A_141 = tpu.vector_load_idx %arg7[%parallel_loop3A_140] : memref<4096xi32, #tpu.memory_space<vmem>>[vector<16xi32>], vector<16xi32>,
        %parallel_loop3A_142 = arith.addi %parallel_loop3A_132, %parallel_loop3A_141 : vector<16xi32>
        %parallel_loop3A_143 = arith.constant 16 : i32
        %parallel_loop3A_144 = vector.broadcast %parallel_loop3A_143 : i32 to vector<16xi32>
        %parallel_loop3A_145 = arith.shrui %parallel_loop3A_137, %parallel_loop3A_144 : vector<16xi32>
        %parallel_loop3A_146 = arith.constant 4095 : i32
        %parallel_loop3A_147 = vector.broadcast %parallel_loop3A_146 : i32 to vector<16xi32>
        %parallel_loop3A_148 = arith.andi %parallel_loop3A_145, %parallel_loop3A_147 : vector<16xi32>
        %parallel_loop3A_149 = tpu.vector_load_idx %arg7[%parallel_loop3A_148] : memref<4096xi32, #tpu.memory_space<vmem>>[vector<16xi32>], vector<16xi32>,
        %parallel_loop3A_150 = arith.addi %parallel_loop3A_142, %parallel_loop3A_149 : vector<16xi32>
        %parallel_loop3A_151 = vector.broadcast %parallel_loop3A_94 : i32 to vector<16xi32>
        %parallel_loop3A_152 = arith.constant 3 : i32
        %parallel_loop3A_153 = vector.broadcast %parallel_loop3A_152 : i32 to vector<16xi32>
        %parallel_loop3A_154 = arith.ori %parallel_loop3A_151, %parallel_loop3A_153 : vector<16xi32>
        %parallel_loop3A_155 = tpu.vector_load_idx %arg9[%iota3A, %parallel_loop3A_154] : memref<16x512xi32, #tpu.memory_space<vmem>>[vector<16xi32>, vector<16xi32>], vector<16xi32>,
        %parallel_loop3A_156 = arith.constant 4095 : i32
        %parallel_loop3A_157 = vector.broadcast %parallel_loop3A_156 : i32 to vector<16xi32>
        %parallel_loop3A_158 = arith.andi %parallel_loop3A_155, %parallel_loop3A_157 : vector<16xi32>
        %parallel_loop3A_159 = tpu.vector_load_idx %arg7[%parallel_loop3A_158] : memref<4096xi32, #tpu.memory_space<vmem>>[vector<16xi32>], vector<16xi32>,
        %parallel_loop3A_160 = arith.addi %parallel_loop3A_150, %parallel_loop3A_159 : vector<16xi32>
        %parallel_loop3A_161 = arith.constant 16 : i32
        %parallel_loop3A_162 = vector.broadcast %parallel_loop3A_161 : i32 to vector<16xi32>
        %parallel_loop3A_163 = arith.shrui %parallel_loop3A_155, %parallel_loop3A_162 : vector<16xi32>
        %parallel_loop3A_164 = arith.constant 4095 : i32
        %parallel_loop3A_165 = vector.broadcast %parallel_loop3A_164 : i32 to vector<16xi32>
        %parallel_loop3A_166 = arith.andi %parallel_loop3A_163, %parallel_loop3A_165 : vector<16xi32>
        %parallel_loop3A_167 = tpu.vector_load_idx %arg7[%parallel_loop3A_166] : memref<4096xi32, #tpu.memory_space<vmem>>[vector<16xi32>], vector<16xi32>,
        %parallel_loop3A_168 = arith.addi %parallel_loop3A_160, %parallel_loop3A_167 : vector<16xi32>
        %parallel_loop3A_169 = arith.constant 16 : i32
        %parallel_loop3A_170 = vector.broadcast %parallel_loop3A_169 : i32 to vector<16xi32>
        %parallel_loop3A_171 = arith.shrui %parallel_loop3A_168, %parallel_loop3A_170 : vector<16xi32>
        %parallel_loop3A_172 = arith.addi %parallel_loop3A_91, %parallel_loop3A_171 : vector<16xi32>
        %parallel_loop3A_173 = arith.constant 65535 : i32
        %parallel_loop3A_174 = vector.broadcast %parallel_loop3A_173 : i32 to vector<16xi32>
        %parallel_loop3A_175 = arith.andi %parallel_loop3A_168, %parallel_loop3A_174 : vector<16xi32>
        %parallel_loop3A_176 = arith.addi %parallel_loop3A_92, %parallel_loop3A_175 : vector<16xi32>
        scf.yield %parallel_loop3A_172, %parallel_loop3A_176 : vector<16xi32>, vector<16xi32>
      } {sc.loop_unroll_factor = 4 : i64, sc.parallel_access}
      %convert_element_type3A_37 = arith.sitofp %parallel_loop3A_36#0 : vector<16xi32> to vector<16xf32>
      %mul3A_38 = vector.broadcast %squeeze3A : f32 to vector<16xf32>
      %mul3A_39 = arith.mulf %convert_element_type3A_37, %mul3A_38 : vector<16xf32>
      %mul3A_40 = arith.constant 16 : i32
      %mul3A_41 = arith.muli %add3A_22, %mul3A_40 : i32
      %swap3A = arith.index_cast %mul3A_41 : i32 to index
      %swap3A_42 = tpu.vector_load %arg11[%swap3A] {strides = array<i32>} : memref<512xf32, #tpu.memory_space<vmem>>, vector<16xf32>,
      tpu.vector_store %arg11[%swap3A], %mul3A_39 {strides = array<i32>} : memref<512xf32, #tpu.memory_space<vmem>>, vector<16xf32>,
      %convert_element_type3A_43 = arith.sitofp %parallel_loop3A_36#1 : vector<16xi32> to vector<16xf32>
      %mul3A_44 = vector.broadcast %squeeze3A_5 : f32 to vector<16xf32>
      %mul3A_45 = arith.mulf %convert_element_type3A_43, %mul3A_44 : vector<16xf32>
      %exp3A = math.exp %mul3A_45 : vector<16xf32>
      %mul3A_46 = arith.constant 16 : i32
      %mul3A_47 = arith.muli %add3A_22, %mul3A_46 : i32
      %swap3A_48 = arith.index_cast %mul3A_47 : i32 to index
      %swap3A_49 = tpu.vector_load %arg12[%swap3A_48] {strides = array<i32>} : memref<512xf32, #tpu.memory_space<vmem>>, vector<16xf32>,
      tpu.vector_store %arg12[%swap3A_48], %exp3A {strides = array<i32>} : memref<512xf32, #tpu.memory_space<vmem>>, vector<16xf32>,
      %mul3A_50 = arith.constant 2 : i32
      %mul3A_51 = arith.muli %scan3A_17, %mul3A_50 : i32
      %add3A_52 = arith.constant 1 : i32
      %add3A_53 = arith.addi %mul3A_51, %add3A_52 : i32
      %mul3A_54 = arith.constant 16 : i32
      %mul3A_55 = arith.muli %add3A_53, %mul3A_54 : i32
      %add3A_56 = arith.addi %mul3A_2, %mul3A_55 : i32
      %dma_wait3A_57 = arith.constant 0 : i32
      %dma_wait3A_58 = tpu.memref_slice %arg2[%add3A_56, %dma_wait3A_57] : memref<16384x512xi32, #tpu.memory_space<hbm>> -> memref<16x512xi32, #tpu.memory_space<hbm>>
      %dma_wait3A_59 = arith.constant 0 : i32
      %dma_wait3A_60 = tpu.memref_slice %arg2[%add3A_56, %dma_wait3A_59] : memref<16384x512xi32, #tpu.memory_space<hbm>> -> memref<16x512xi32, #tpu.memory_space<hbm>>
      tpu.wait_dma2 semaphore(%arg14 : memref<!tpu.dma_semaphore, #tpu.memory_space<semaphore_mem>>) src(%dma_wait3A_60 : memref<16x512xi32, #tpu.memory_space<hbm>>) dst(%arg10 : memref<16x512xi32, #tpu.memory_space<vmem>>)
      %add3A_61 = arith.constant 1 : i32
      %add3A_62 = arith.addi %add3A_53, %add3A_61 : i32
      %lt3A_63 = arith.constant 32 : i32
      %lt3A_64 = arith.cmpi slt, %add3A_62, %lt3A_63 : i32
      %convert_element_type3A_65 = arith.extui %lt3A_64 : i1 to i32
      %cond3A_66 = arith.constant 0 : i32
      %cond3A_67 = arith.cmpi ne, %convert_element_type3A_65, %cond3A_66 : i32
      scf.if %cond3A_67 {
        %add3A_90 = arith.constant 1 : i32
        %add3A_91 = arith.addi %add3A_53, %add3A_90 : i32
        %mul3A_92 = arith.constant 16 : i32
        %mul3A_93 = arith.muli %add3A_91, %mul3A_92 : i32
        %add3A_94 = arith.addi %mul3A_2, %mul3A_93 : i32
        %dma_start3A_95 = arith.constant 0 : i32
        %dma_start3A_96 = tpu.memref_slice %arg2[%add3A_94, %dma_start3A_95] : memref<16384x512xi32, #tpu.memory_space<hbm>> -> memref<16x512xi32, #tpu.memory_space<hbm>>
        %dma_start3A_97 = arith.constant 0 : i32
        %dma_start3A_98 = tpu.memref_slice %arg2[%add3A_94, %dma_start3A_97] : memref<16384x512xi32, #tpu.memory_space<hbm>> -> memref<16x512xi32, #tpu.memory_space<hbm>>
        tpu.enqueue_dma source(%dma_start3A_98 : memref<16x512xi32, #tpu.memory_space<hbm>>) target(%arg9 : memref<16x512xi32, #tpu.memory_space<vmem>>) target_semaphore(%arg13 : memref<!tpu.dma_semaphore, #tpu.memory_space<semaphore_mem>>)
      } else {
      }
      %broadcast_in_dim3A_68 = arith.constant 0 : i32
      %broadcast_in_dim3A_69 = vector.broadcast %broadcast_in_dim3A_68 : i32 to vector<16xi32>
      %parallel_loop3A_70 = arith.constant 0 : i32
      %parallel_loop3A_71 = arith.constant 128 : i32
      %parallel_loop3A_72 = arith.constant 1 : i32
      %parallel_loop3A_73:2 = scf.for %parallel_loop3A_90 = %parallel_loop3A_70 to %parallel_loop3A_71 step %parallel_loop3A_72 iter_args(%parallel_loop3A_91 = %broadcast_in_dim3A_69, %parallel_loop3A_92 = %broadcast_in_dim3A_69) -> (vector<16xi32>, vector<16xi32>)  : i32 {
        %parallel_loop3A_93 = arith.constant 4 : i32
        %parallel_loop3A_94 = arith.muli %parallel_loop3A_90, %parallel_loop3A_93 : i32
        %parallel_loop3A_95 = arith.constant 0 : i32
        %parallel_loop3A_96 = vector.broadcast %parallel_loop3A_95 : i32 to vector<16xi32>
        %parallel_loop3A_97 = vector.broadcast %parallel_loop3A_94 : i32 to vector<16xi32>
        %parallel_loop3A_98 = arith.constant 0 : i32
        %parallel_loop3A_99 = vector.broadcast %parallel_loop3A_98 : i32 to vector<16xi32>
        %parallel_loop3A_100 = arith.ori %parallel_loop3A_97, %parallel_loop3A_99 : vector<16xi32>
        %parallel_loop3A_101 = tpu.vector_load_idx %arg10[%iota3A, %parallel_loop3A_100] : memref<16x512xi32, #tpu.memory_space<vmem>>[vector<16xi32>, vector<16xi32>], vector<16xi32>,
        %parallel_loop3A_102 = arith.constant 4095 : i32
        %parallel_loop3A_103 = vector.broadcast %parallel_loop3A_102 : i32 to vector<16xi32>
        %parallel_loop3A_104 = arith.andi %parallel_loop3A_101, %parallel_loop3A_103 : vector<16xi32>
        %parallel_loop3A_105 = tpu.vector_load_idx %arg7[%parallel_loop3A_104] : memref<4096xi32, #tpu.memory_space<vmem>>[vector<16xi32>], vector<16xi32>,
        %parallel_loop3A_106 = arith.addi %parallel_loop3A_96, %parallel_loop3A_105 : vector<16xi32>
        %parallel_loop3A_107 = arith.constant 16 : i32
        %parallel_loop3A_108 = vector.broadcast %parallel_loop3A_107 : i32 to vector<16xi32>
        %parallel_loop3A_109 = arith.shrui %parallel_loop3A_101, %parallel_loop3A_108 : vector<16xi32>
        %parallel_loop3A_110 = arith.constant 4095 : i32
        %parallel_loop3A_111 = vector.broadcast %parallel_loop3A_110 : i32 to vector<16xi32>
        %parallel_loop3A_112 = arith.andi %parallel_loop3A_109, %parallel_loop3A_111 : vector<16xi32>
        %parallel_loop3A_113 = tpu.vector_load_idx %arg7[%parallel_loop3A_112] : memref<4096xi32, #tpu.memory_space<vmem>>[vector<16xi32>], vector<16xi32>,
        %parallel_loop3A_114 = arith.addi %parallel_loop3A_106, %parallel_loop3A_113 : vector<16xi32>
        %parallel_loop3A_115 = vector.broadcast %parallel_loop3A_94 : i32 to vector<16xi32>
        %parallel_loop3A_116 = arith.constant 1 : i32
        %parallel_loop3A_117 = vector.broadcast %parallel_loop3A_116 : i32 to vector<16xi32>
        %parallel_loop3A_118 = arith.ori %parallel_loop3A_115, %parallel_loop3A_117 : vector<16xi32>
        %parallel_loop3A_119 = tpu.vector_load_idx %arg10[%iota3A, %parallel_loop3A_118] : memref<16x512xi32, #tpu.memory_space<vmem>>[vector<16xi32>, vector<16xi32>], vector<16xi32>,
        %parallel_loop3A_120 = arith.constant 4095 : i32
        %parallel_loop3A_121 = vector.broadcast %parallel_loop3A_120 : i32 to vector<16xi32>
        %parallel_loop3A_122 = arith.andi %parallel_loop3A_119, %parallel_loop3A_121 : vector<16xi32>
        %parallel_loop3A_123 = tpu.vector_load_idx %arg7[%parallel_loop3A_122] : memref<4096xi32, #tpu.memory_space<vmem>>[vector<16xi32>], vector<16xi32>,
        %parallel_loop3A_124 = arith.addi %parallel_loop3A_114, %parallel_loop3A_123 : vector<16xi32>
        %parallel_loop3A_125 = arith.constant 16 : i32
        %parallel_loop3A_126 = vector.broadcast %parallel_loop3A_125 : i32 to vector<16xi32>
        %parallel_loop3A_127 = arith.shrui %parallel_loop3A_119, %parallel_loop3A_126 : vector<16xi32>
        %parallel_loop3A_128 = arith.constant 4095 : i32
        %parallel_loop3A_129 = vector.broadcast %parallel_loop3A_128 : i32 to vector<16xi32>
        %parallel_loop3A_130 = arith.andi %parallel_loop3A_127, %parallel_loop3A_129 : vector<16xi32>
        %parallel_loop3A_131 = tpu.vector_load_idx %arg7[%parallel_loop3A_130] : memref<4096xi32, #tpu.memory_space<vmem>>[vector<16xi32>], vector<16xi32>,
        %parallel_loop3A_132 = arith.addi %parallel_loop3A_124, %parallel_loop3A_131 : vector<16xi32>
        %parallel_loop3A_133 = vector.broadcast %parallel_loop3A_94 : i32 to vector<16xi32>
        %parallel_loop3A_134 = arith.constant 2 : i32
        %parallel_loop3A_135 = vector.broadcast %parallel_loop3A_134 : i32 to vector<16xi32>
        %parallel_loop3A_136 = arith.ori %parallel_loop3A_133, %parallel_loop3A_135 : vector<16xi32>
        %parallel_loop3A_137 = tpu.vector_load_idx %arg10[%iota3A, %parallel_loop3A_136] : memref<16x512xi32, #tpu.memory_space<vmem>>[vector<16xi32>, vector<16xi32>], vector<16xi32>,
        %parallel_loop3A_138 = arith.constant 4095 : i32
        %parallel_loop3A_139 = vector.broadcast %parallel_loop3A_138 : i32 to vector<16xi32>
        %parallel_loop3A_140 = arith.andi %parallel_loop3A_137, %parallel_loop3A_139 : vector<16xi32>
        %parallel_loop3A_141 = tpu.vector_load_idx %arg7[%parallel_loop3A_140] : memref<4096xi32, #tpu.memory_space<vmem>>[vector<16xi32>], vector<16xi32>,
        %parallel_loop3A_142 = arith.addi %parallel_loop3A_132, %parallel_loop3A_141 : vector<16xi32>
        %parallel_loop3A_143 = arith.constant 16 : i32
        %parallel_loop3A_144 = vector.broadcast %parallel_loop3A_143 : i32 to vector<16xi32>
        %parallel_loop3A_145 = arith.shrui %parallel_loop3A_137, %parallel_loop3A_144 : vector<16xi32>
        %parallel_loop3A_146 = arith.constant 4095 : i32
        %parallel_loop3A_147 = vector.broadcast %parallel_loop3A_146 : i32 to vector<16xi32>
        %parallel_loop3A_148 = arith.andi %parallel_loop3A_145, %parallel_loop3A_147 : vector<16xi32>
        %parallel_loop3A_149 = tpu.vector_load_idx %arg7[%parallel_loop3A_148] : memref<4096xi32, #tpu.memory_space<vmem>>[vector<16xi32>], vector<16xi32>,
        %parallel_loop3A_150 = arith.addi %parallel_loop3A_142, %parallel_loop3A_149 : vector<16xi32>
        %parallel_loop3A_151 = vector.broadcast %parallel_loop3A_94 : i32 to vector<16xi32>
        %parallel_loop3A_152 = arith.constant 3 : i32
        %parallel_loop3A_153 = vector.broadcast %parallel_loop3A_152 : i32 to vector<16xi32>
        %parallel_loop3A_154 = arith.ori %parallel_loop3A_151, %parallel_loop3A_153 : vector<16xi32>
        %parallel_loop3A_155 = tpu.vector_load_idx %arg10[%iota3A, %parallel_loop3A_154] : memref<16x512xi32, #tpu.memory_space<vmem>>[vector<16xi32>, vector<16xi32>], vector<16xi32>,
        %parallel_loop3A_156 = arith.constant 4095 : i32
        %parallel_loop3A_157 = vector.broadcast %parallel_loop3A_156 : i32 to vector<16xi32>
        %parallel_loop3A_158 = arith.andi %parallel_loop3A_155, %parallel_loop3A_157 : vector<16xi32>
        %parallel_loop3A_159 = tpu.vector_load_idx %arg7[%parallel_loop3A_158] : memref<4096xi32, #tpu.memory_space<vmem>>[vector<16xi32>], vector<16xi32>,
        %parallel_loop3A_160 = arith.addi %parallel_loop3A_150, %parallel_loop3A_159 : vector<16xi32>
        %parallel_loop3A_161 = arith.constant 16 : i32
        %parallel_loop3A_162 = vector.broadcast %parallel_loop3A_161 : i32 to vector<16xi32>
        %parallel_loop3A_163 = arith.shrui %parallel_loop3A_155, %parallel_loop3A_162 : vector<16xi32>
        %parallel_loop3A_164 = arith.constant 4095 : i32
        %parallel_loop3A_165 = vector.broadcast %parallel_loop3A_164 : i32 to vector<16xi32>
        %parallel_loop3A_166 = arith.andi %parallel_loop3A_163, %parallel_loop3A_165 : vector<16xi32>
        %parallel_loop3A_167 = tpu.vector_load_idx %arg7[%parallel_loop3A_166] : memref<4096xi32, #tpu.memory_space<vmem>>[vector<16xi32>], vector<16xi32>,
        %parallel_loop3A_168 = arith.addi %parallel_loop3A_160, %parallel_loop3A_167 : vector<16xi32>
        %parallel_loop3A_169 = arith.constant 16 : i32
        %parallel_loop3A_170 = vector.broadcast %parallel_loop3A_169 : i32 to vector<16xi32>
        %parallel_loop3A_171 = arith.shrui %parallel_loop3A_168, %parallel_loop3A_170 : vector<16xi32>
        %parallel_loop3A_172 = arith.addi %parallel_loop3A_91, %parallel_loop3A_171 : vector<16xi32>
        %parallel_loop3A_173 = arith.constant 65535 : i32
        %parallel_loop3A_174 = vector.broadcast %parallel_loop3A_173 : i32 to vector<16xi32>
        %parallel_loop3A_175 = arith.andi %parallel_loop3A_168, %parallel_loop3A_174 : vector<16xi32>
        %parallel_loop3A_176 = arith.addi %parallel_loop3A_92, %parallel_loop3A_175 : vector<16xi32>
        scf.yield %parallel_loop3A_172, %parallel_loop3A_176 : vector<16xi32>, vector<16xi32>
      } {sc.loop_unroll_factor = 4 : i64, sc.parallel_access}
      %convert_element_type3A_74 = arith.sitofp %parallel_loop3A_73#0 : vector<16xi32> to vector<16xf32>
      %mul3A_75 = vector.broadcast %squeeze3A : f32 to vector<16xf32>
      %mul3A_76 = arith.mulf %convert_element_type3A_74, %mul3A_75 : vector<16xf32>
      %mul3A_77 = arith.constant 16 : i32
      %mul3A_78 = arith.muli %add3A_53, %mul3A_77 : i32
      %swap3A_79 = arith.index_cast %mul3A_78 : i32 to index
      %swap3A_80 = tpu.vector_load %arg11[%swap3A_79] {strides = array<i32>} : memref<512xf32, #tpu.memory_space<vmem>>, vector<16xf32>,
      tpu.vector_store %arg11[%swap3A_79], %mul3A_76 {strides = array<i32>} : memref<512xf32, #tpu.memory_space<vmem>>, vector<16xf32>,
      %convert_element_type3A_81 = arith.sitofp %parallel_loop3A_73#1 : vector<16xi32> to vector<16xf32>
      %mul3A_82 = vector.broadcast %squeeze3A_5 : f32 to vector<16xf32>
      %mul3A_83 = arith.mulf %convert_element_type3A_81, %mul3A_82 : vector<16xf32>
      %exp3A_84 = math.exp %mul3A_83 : vector<16xf32>
      %mul3A_85 = arith.constant 16 : i32
      %mul3A_86 = arith.muli %add3A_53, %mul3A_85 : i32
      %swap3A_87 = arith.index_cast %mul3A_86 : i32 to index
      %swap3A_88 = tpu.vector_load %arg12[%swap3A_87] {strides = array<i32>} : memref<512xf32, #tpu.memory_space<vmem>>, vector<16xf32>,
      tpu.vector_store %arg12[%swap3A_87], %exp3A_84 {strides = array<i32>} : memref<512xf32, #tpu.memory_space<vmem>>, vector<16xf32>,
      %scan3A_89 = arith.constant 0 : i32
      scf.yield %scan3A_89 : i32
    }
    %scan3A_16 = arith.constant 16 : i32
    "tpu.region"() ({
      %run_scoped3A = tpu.sem_alloc : memref<!tpu.dma_semaphore, #tpu.memory_space<semaphore_mem>>
      %dma_start3A_17 = tpu.memref_slice %arg5[%mul3A_2] : memref<16384xf32, #tpu.memory_space<hbm>> -> memref<512xf32, #tpu.memory_space<hbm>>
      %dma_start3A_18 = tpu.memref_slice %arg5[%mul3A_2] : memref<16384xf32, #tpu.memory_space<hbm>> -> memref<512xf32, #tpu.memory_space<hbm>>
      tpu.enqueue_dma source(%arg11 : memref<512xf32, #tpu.memory_space<vmem>>) target(%dma_start3A_18 : memref<512xf32, #tpu.memory_space<hbm>>) target_semaphore(%run_scoped3A : memref<!tpu.dma_semaphore, #tpu.memory_space<semaphore_mem>>)
      %dma_wait3A = tpu.memref_slice %arg5[%mul3A_2] : memref<16384xf32, #tpu.memory_space<hbm>> -> memref<512xf32, #tpu.memory_space<hbm>>
      %dma_wait3A_19 = tpu.memref_slice %arg5[%mul3A_2] : memref<16384xf32, #tpu.memory_space<hbm>> -> memref<512xf32, #tpu.memory_space<hbm>>
      tpu.wait_dma2 semaphore(%run_scoped3A : memref<!tpu.dma_semaphore, #tpu.memory_space<semaphore_mem>>) src(%arg11 : memref<512xf32, #tpu.memory_space<vmem>>) dst(%dma_wait3A_19 : memref<512xf32, #tpu.memory_space<hbm>>)
      tpu.yield
    }) : () -> ()
    "tpu.region"() ({
      %run_scoped3A = tpu.sem_alloc : memref<!tpu.dma_semaphore, #tpu.memory_space<semaphore_mem>>
      %dma_start3A_17 = tpu.memref_slice %arg6[%mul3A_2] : memref<16384xf32, #tpu.memory_space<hbm>> -> memref<512xf32, #tpu.memory_space<hbm>>
      %dma_start3A_18 = tpu.memref_slice %arg6[%mul3A_2] : memref<16384xf32, #tpu.memory_space<hbm>> -> memref<512xf32, #tpu.memory_space<hbm>>
      tpu.enqueue_dma source(%arg12 : memref<512xf32, #tpu.memory_space<vmem>>) target(%dma_start3A_18 : memref<512xf32, #tpu.memory_space<hbm>>) target_semaphore(%run_scoped3A : memref<!tpu.dma_semaphore, #tpu.memory_space<semaphore_mem>>)
      %dma_wait3A = tpu.memref_slice %arg6[%mul3A_2] : memref<16384xf32, #tpu.memory_space<hbm>> -> memref<512xf32, #tpu.memory_space<hbm>>
      %dma_wait3A_19 = tpu.memref_slice %arg6[%mul3A_2] : memref<16384xf32, #tpu.memory_space<hbm>> -> memref<512xf32, #tpu.memory_space<hbm>>
      tpu.wait_dma2 semaphore(%run_scoped3A : memref<!tpu.dma_semaphore, #tpu.memory_space<semaphore_mem>>) src(%arg12 : memref<512xf32, #tpu.memory_space<vmem>>) dst(%dma_wait3A_19 : memref<512xf32, #tpu.memory_space<hbm>>)
      tpu.yield
    }) : () -> ()
    return
  }
}

module attributes {stable_mosaic.version = 14 : i64} {
  func.func @body(%arg0: i32, %arg1: memref<256x2048xi32, #tpu.memory_space<vmem>>, %arg2: memref<256x512xi32, #tpu.memory_space<vmem>>) attributes {dimension_semantics = [#tpu.dimension_semantics<arbitrary>], iteration_bounds = array<i64: 64>, scalar_prefetch = 0 : i64, scratch_operands = 0 : i64, tpu.core_type = #tpu.core_type<tc>, window_params = [{transform_indices = @transform_0, window_bounds = array<i64: 256, 2048>}, {transform_indices = @transform_1, window_bounds = array<i64: 256, 512>}]} {
    %get3A = arith.constant 0 : index
    %get3A_0 = arith.constant 0 : index
    %get3A_1 = vector.load %arg1[%get3A, %get3A_0] : memref<256x2048xi32, #tpu.memory_space<vmem>>, vector<256x512xi32>
    %get3A_2 = arith.constant 0 : index
    %get3A_3 = arith.constant 512 : index
    %get3A_4 = vector.load %arg1[%get3A_2, %get3A_3] : memref<256x2048xi32, #tpu.memory_space<vmem>>, vector<256x512xi32>
    %get3A_5 = arith.constant 0 : index
    %get3A_6 = arith.constant 1024 : index
    %get3A_7 = vector.load %arg1[%get3A_5, %get3A_6] : memref<256x2048xi32, #tpu.memory_space<vmem>>, vector<256x512xi32>
    %get3A_8 = arith.constant 0 : index
    %get3A_9 = arith.constant 1536 : index
    %get3A_10 = vector.load %arg1[%get3A_8, %get3A_9] : memref<256x2048xi32, #tpu.memory_space<vmem>>, vector<256x512xi32>
    %shift_left3A = arith.constant 6 : i32
    %shift_left3A_11 = vector.broadcast %shift_left3A : i32 to vector<256x512xi32>
    %shift_left3A_12 = arith.shli %get3A_4, %shift_left3A_11 : vector<256x512xi32>
    %or3A = arith.ori %get3A_1, %shift_left3A_12 : vector<256x512xi32>
    %shift_left3A_13 = arith.constant 6 : i32
    %shift_left3A_14 = vector.broadcast %shift_left3A_13 : i32 to vector<256x512xi32>
    %shift_left3A_15 = arith.shli %get3A_10, %shift_left3A_14 : vector<256x512xi32>
    %or3A_16 = arith.ori %get3A_7, %shift_left3A_15 : vector<256x512xi32>
    %shift_left3A_17 = arith.constant 16 : i32
    %shift_left3A_18 = vector.broadcast %shift_left3A_17 : i32 to vector<256x512xi32>
    %shift_left3A_19 = arith.shli %or3A_16, %shift_left3A_18 : vector<256x512xi32>
    %or3A_20 = arith.ori %or3A, %shift_left3A_19 : vector<256x512xi32>
    %swap3A = arith.constant 0 : index
    %swap3A_21 = arith.constant 0 : index
    %swap3A_22 = vector.load %arg2[%swap3A, %swap3A_21] : memref<256x512xi32, #tpu.memory_space<vmem>>, vector<256x512xi32>
    tpu.vector_store %arg2[%swap3A, %swap3A_21], %or3A_20 {strides = array<i32>} : memref<256x512xi32, #tpu.memory_space<vmem>>, vector<256x512xi32>,
    return
  }
  func.func @transform_0(%arg0: i32) -> (i32, i32) {
    %c0_i32 = arith.constant 0 : i32
    %c0_i32_0 = arith.constant 0 : i32
    return %arg0, %c0_i32 : i32, i32
  }
  func.func @transform_1(%arg0: i32) -> (i32, i32) {
    %c0_i32 = arith.constant 0 : i32
    %c0_i32_0 = arith.constant 0 : i32
    return %arg0, %c0_i32 : i32, i32
  }
}

</mosaic_0001>

<sc_bundles>
// kernel: kernel.4.cloned.1.call-start
scs
__scs_entry_jumppad:
0x0: {  	(pc) =	sbr.rel $0x88, $3  }
0x1: {  	(tag) =	ssettag $0x0;
	lr =	simm.s32 $0x1  }
0x2: {  	[smem:$0x3F9E] =	sst lr;
	_ =	strace $0xD0000000  }
0x3: {  	_ = 	snop  }
0x4: {  	_ = 	snop  }
0x5: {  	_ = 	snop  }
0x6: {  	_ = 	snop  }
0x7: {  	_ = 	snop  }
__scs_overlays_trampoline_lowered:
0x8: {  	[smem:$0x3FAD] =	sst s0  }
0x9: {  	[smem:$0x3FAE] =	sst s1  }
0xa: {  	[smem:$0x3FAF] =	sst s2  }
0xb: {  	[smem:$0x3FB0] =	sst s3  }
0xc: {  	[smem:$0x3FB1] =	sst s4  }
0xd: {  	[smem:$0x3FB2] =	sst s5  }
0xe: {  	[smem:$0x3FB3] =	sst s6  }
0xf: {  	[smem:$0x3FB4] =	sst s7  }
0x10: {  	[smem:$0x3FB5] =	sst s8  }
0x11: {  	[smem:$0x3FB6] =	sst s9;
	s0 =	simm.s32 @!p0 $0x0  }
0x12: {  	s1 =	sld [smem:$0x3F9C];
	s0 =	simm.s32 @p0 $0x1  }
0x13: {  	[smem:$0x3FB7] =	sst s0;
	s0 =	simm.s32 @!p1 $0x0  }
0x14: {  	s2 =	sld [smem:$0x3F9B];
	s0 =	simm.s32 @p1 $0x1  }
0x15: {  	[smem:$0x3FB8] =	sst s0;
	s0 =	simm.s32 @!p2 $0x0  }
0x16: {  	s3 =	sld [smem:$0x3FDB];
	s0 =	simm.s32 @p2 $0x1  }
0x17: {  	s4 =	simm.s32 $0x1BF5;
	[smem:$0x3FBA] =	sst s0  }
0x18: {  	s0 =	sld [smem:$0x3F9D];
	_ =	swait.ge [sflag:s4], $0x0  }
0x19: {  	s7 =	sld [smem:$0x3F9E]  }
0x1a: {  	s8 =	sadd.s32 $0xFFFFE003, lr  }
0x1b: {  	s9 =	sadd.s32 $0xFFFFFEF7, lr;
	s5 =	simm.s32 $0xFFFFFFFF;
	p2 =	slt.u32 s8, $0xFFFFF086  }
0x1c: {  	p1 =	slt.u32 s9, $0xF7A;
	s5 =	simm.s32 @!p2 $0x0  }
0x1d: {  	s5 =	simm.s32 @p1 $0x1;
	p0 =	seq.s32 s7, s2  }
0x1e: {  	s7 =	smul.u32 @!p0 $0xF7A, s2;
	p2 =	seq.s32 @!p0 s5, $0x0  }
0x1f: {  	s9 =	smul.u32 $0xF7A, s1;
	s8 =	simm.s32 @!p0 $0x1BF5;
	p2 =	por !p2, p0  }
0x20: {  	[sflag:s8] =	ssyncset.s32 @!p0 $0xFFFFF086;
	s6 =	sadd.s32 @!p0 s3, s7;
	s7 =	simm.s32 @!p0 $0x108  }
0x21: {  	s3 =	sadd.s32 s3, s9;
	s6 =	sadd.s32 @!p0 $0x88, s6;
	s7 =	simm.s32 @p2 $0x1082  }
0x22: {  	[simem:s7], [sflag:s8] =	dma.local @!p0 [hbm:s6], $0xF7A  }
0x23: {  	s9 =	sor.u32 $0xD0000000, s2;
	s6 =	simm.s32 $0x108;
	_ =	swait.ge @!p0 [sflag:s8], $0x0  }
0x24: {  	s3 =	sadd.s32 $0x88, s3;
	s6 =	simm.s32 @!p1 $0x1082;
	[sflag:s4] =	ssyncset.s32 $0xFFFFF086  }
0x25: {  	[simem:s6], [sflag:s4] =	dma.local [hbm:s3], $0xF7A  }
0x26: {  	[smem:$0x3F9E] =	sst s1;
	(tag) =	ssettag s2;
	_ =	strace s9  }
0x27: {  	s1 =	sld [smem:$0x3FAE]  }
0x28: {  	s2 =	sld [smem:$0x3FAF]  }
0x29: {  	s4 =	sld [smem:$0x3FB1]  }
0x2a: {  	p0 =	seq.s32 s5, $0x0;
	s5 =	sld [smem:$0x3FB2]  }
0x2b: {  	s6 =	sld [smem:$0x3FB3]  }
0x2c: {  	s7 =	sld [smem:$0x3FB4]  }
0x2d: {  	s3 =	simm.s32 $0x108;
	s8 =	sld [smem:$0x3FB5]  }
0x2e: {  	s3 =	simm.s32 @!p0 $0x1082;
	s9 =	sld [smem:$0x3FB6]  }
0x2f: {  	lr =	sadd.s32 s0, s3;
	s0 =	sld [smem:$0x3FAD]  }
0x30: {  	s3 =	sld [smem:$0x3FB0]  }
0x31: {  	[smem:$0x3FB9] =	sst s10  }
0x32: {  	s10 =	sld [smem:$0x3FB7];
	_ =	sdelay $0x3  }
0x33: {  	p0 =	seq.s32 s10, $0x1;
	s10 =	sld [smem:$0x3FB9];
	_ =	sdelay $0x3  }
0x34: {  	[smem:$0x3FB9] =	sst s10  }
0x35: {  	s10 =	sld [smem:$0x3FB8];
	_ =	sdelay $0x3  }
0x36: {  	p1 =	seq.s32 s10, $0x1;
	s10 =	sld [smem:$0x3FB9];
	_ =	sdelay $0x3  }
0x37: {  	[smem:$0x3FB9] =	sst s10  }
0x38: {  	s10 =	sld [smem:$0x3FBA]  }
0x39: {  	_ = 	snop;
	(pc) =	sbr.ind lr, $3  }
0x3a: {  	_ = 	snop  }
0x3b: {  	_ = 	snop  }
0x3c: {  	p2 =	seq.s32 s10, $0x1;
	s10 =	sld [smem:$0x3FB9]  }
0x3d: {  	_ =	shalt  }
0x3e: {  	_ =	shalt  }
0x3f: {  	_ =	shalt  }
0x40: {  	_ =	shalt  }
0x41: {  	_ =	shalt  }
0x42: {  	_ =	shalt  }
0x43: {  	_ =	shalt  }
0x44: {  	_ =	shalt  }
0x45: {  	_ =	shalt  }
0x46: {  	_ =	shalt  }
0x47: {  	_ =	shalt  }
0x48: {  	_ =	shalt  }
0x49: {  	_ =	shalt  }
0x4a: {  	_ =	shalt  }
0x4b: {  	_ =	shalt  }
0x4c: {  	_ =	shalt  }
0x4d: {  	_ =	shalt  }
0x4e: {  	_ =	shalt  }
0x4f: {  	_ =	shalt  }
0x50: {  	_ =	shalt  }
0x51: {  	_ =	shalt  }
0x52: {  	_ =	shalt  }
0x53: {  	_ =	shalt  }
0x54: {  	_ =	shalt  }
0x55: {  	_ =	shalt  }
0x56: {  	_ =	shalt  }
0x57: {  	_ =	shalt  }
0x58: {  	_ =	shalt  }
0x59: {  	_ =	shalt  }
0x5a: {  	_ =	shalt  }
0x5b: {  	_ =	shalt  }
0x5c: {  	_ =	shalt  }
0x5d: {  	_ =	shalt  }
0x5e: {  	_ =	shalt  }
0x5f: {  	_ =	shalt  }
0x60: {  	_ =	shalt  }
0x61: {  	_ =	shalt  }
0x62: {  	_ =	shalt  }
0x63: {  	_ =	shalt  }
0x64: {  	_ =	shalt  }
0x65: {  	_ =	shalt  }
0x66: {  	_ =	shalt  }
0x67: {  	_ =	shalt  }
0x68: {  	_ =	shalt  }
0x69: {  	_ =	shalt  }
0x6a: {  	_ =	shalt  }
0x6b: {  	_ =	shalt  }
0x6c: {  	_ =	shalt  }
0x6d: {  	_ =	shalt  }
0x6e: {  	_ =	shalt  }
0x6f: {  	_ =	shalt  }
0x70: {  	_ =	shalt  }
0x71: {  	_ =	shalt  }
0x72: {  	_ =	shalt  }
0x73: {  	_ =	shalt  }
0x74: {  	_ =	shalt  }
0x75: {  	_ =	shalt  }
0x76: {  	_ =	shalt  }
0x77: {  	_ =	shalt  }
0x78: {  	_ =	shalt  }
0x79: {  	_ =	shalt  }
0x7a: {  	_ =	shalt  }
0x7b: {  	_ =	shalt  }
0x7c: {  	_ =	shalt  }
0x7d: {  	_ =	shalt  }
0x7e: {  	_ =	shalt  }
0x7f: {  	_ =	shalt  }
0x80: {  	_ =	shalt  }
0x81: {  	_ =	shalt  }
0x82: {  	_ =	shalt  }
0x83: {  	_ =	shalt  }
0x84: {  	_ =	shalt  }
0x85: {  	_ =	shalt  }
0x86: {  	_ =	shalt  }
0x87: {  	_ =	shalt  }
.Lfunc_end0:
.L_simem_size_0:
called_computation_lowered:
.L_overlay_start_0:
0x88: {  	s2 =	sld [smem:$0x3FD9]  }
0x89: {  	s3 =	sld [smem:$0x3FFE];
	_ =	sdelay $0x1  }
0x8a: {  	s1 =	srdreg.scid  }
0x8b: {  	s0 =	sand.u32 $0x1, s1  }
0x8c: {  	s14 =	sshll.u32 s0, $0xA;
	s2 =	sadd.s32 s3, s2  }
0x8d: {  	s2 =	sadd.s32 s2, s14  }
0x8e: {  	[smem:$0x3FC5] =	sst s2  }
0x8f: {  	_ = 	snop  }
0x90: {  	s2 =	sld [smem:$0x3FD0];
	_ =	sdelay $0x2  }
0x91: {  	s15 =	simm.s32 $0xA;
	s4 =	simm.s32 $0x10  }
0x92: {  	[smem:s4], [sflag:s15] =	dma.local [hbm:s2], $0x1  }
0x93: {  	_ =	swait.eq [sflag:s15], $0x1  }
0x94: {  	[sflag:s15] =	ssyncset.done $0x0  }
0x95: {  	s16 =	sld [smem:$0x10];
	[sflag:s15] =	ssyncadd.s32 $0xFFFFFFFF  }
0x96: {  	s17 =	sld [smem:$0x11];
	(tm) =	ssettm $0x1  }
0x97: {  	s18 =	sld [smem:$0x3FFB];
	_ =	sdelay $0x3  }
0x98: {  	_ =	strace s18  }
0x99: {  	s4 =	sld [smem:$0x3FFC];
	_ =	sdelay $0x3  }
0x9a: {  	_ =	strace s4  }
0x9b: {  	s4 =	sld [smem:$0x3FFD];
	_ =	sdelay $0x3  }
0x9c: {  	_ =	strace s4  }
0x9d: {  	_ =	strace $0x8FFFFFFF  }
0x9e: {  	s19 =	sld [smem:$0x3FDB];
	_ =	sdelay $0x1  }
0x9f: {  	s5 =	simm.s32 $_scs_section_size  }
0xa0: {  	s6 =	simm.s32 $_size__tile_overlayer_lowered;
	s7 =	simm.s32 $_tile_overlayer_lowered  }
0xa1: {  	s22 =	simm.s32 $0x1BFF;
	s21 =	sshll.u32 s7, $0x1;
	s4 =	sadd.s32 s5, s19  }
0xa2: {  	s8 =	simm.s32 $0x0;
	s20 =	sshll.u32 s6, $0x1;
	s6 =	sadd.s32 s21, s4  }
0xa3: {  	[timem:s8], [sflag:s22] =	dma.local [hbm:s6], s20  }
0xa4: {  	_ =	swait.ge [sflag:s22], s20  }
0xa5: {  	s5 =	ssub.s32 $0x0, s20;
	[sflag:s22] =	ssyncset.done $0x0  }
0xa6: {  	[sflag:s22] =	ssyncadd.s32 s5;
	_ =	sdelay $0x1  }
0xa7: {  	s23 =	simm.s32 $0x1B8B  }
0xa8: {  	_ =	swait.ge [sflag:s23], $0x1  }
0xa9: {  	[sflag:s23] =	ssyncset.done $0x0  }
0xaa: {  	s25 =	simm.s32 $0x1B8E;
	s24 =	sld [smem:$0x3FFE];
	[sflag:s23] =	ssyncadd.s32 $0xFFFFFFFF  }
0xab: {  	s26 =	simm.s32 $execute0_lowered;
	[smem:$0x3FD2] =	sst s25  }
0xac: {  	s6 =	sshll.u32 s26, $0x1;
	_ =	strace $0x80000046;
	[dreg:$0x1] =	wrdreg $0xFFFFFFFF  }
0xad: {  	s28 =	simm.s32 $_size_execute0_lowered;
	s4 =	sadd.s32 s4, s6;
	[dreg:$0x0] =	wrdreg $0x0  }
0xae: {  	s6 =	sshll.u32 s28, $0x1;
	[dreg:$0x2] =	wrdreg s4  }
0xaf: {  	[dreg:$0x3] =	wrdreg s6  }
0xb0: {  	[dreg:$0x4] =	wrdreg $0xC0  }
0xb1: {  	_ =	task [dreg:s8], $0x5FFFF  }
0xb2: {  	[dreg:$0x1] =	wrdreg $0xFFFFFFFF  }
0xb3: {  	[dreg:$0x0] =	wrdreg $0x60  }
0xb4: {  	[dreg:$0x2] =	wrdreg s24  }
0xb5: {  	[dreg:$0x3] =	wrdreg s16  }
0xb6: {  	[dreg:$0x4] =	wrdreg s17  }
0xb7: {  	[dreg:$0x5] =	wrdreg $0x9  }
0xb8: {  	_ =	task.clear_ibuf [dreg:s8], $0x6FFFF;
	_ =	strace $0x90000046  }
0xb9: {  	s29 =	simm.s32 $0x9;
	_ =	strace $0x80000048  }
0xba: {  	_ =	swait.ge [sflag:s29], $0x1  }
0xbb: {  	[sflag:s29] =	ssyncadd.s32 $0xFFFFFFFF  }
0xbc: {  	_ =	strace $0x90000048  }
0xbd: {  	_ =	sfence  }
0xbe: {  	s30 =	sld [smem:$0x0];
	_ =	sdelay $0x2  }
0xbf: {  	s31 =	sshll.u32 s1, $0xD;
	s1 =	sshrl.u32 s1, $0x2  }
0xc0: {  	s3 =	sand.u32 $0x4000, s31;
	s1 =	sadd.s32 s1, s30  }
0xc1: {  	s0 =	sor.u32 s3, s0;
	s1 =	sshll.u32 s1, $0x11  }
0xc2: {  	s0 =	sor.u32 s1, s0  }
0xc3: {  	s0 =	sadd.s32 $0x8F2B, s0  }
0xc4: {  	[sflag:s0] =	ssyncadd.remote.s32 $0x1  }
0xc5: {  	_ =	sfence.sel $0xFFFF  }
0xc6: {  	[dreg:$0x0] =	wrdreg $0xFFFFFFFF;
	(pc) =	sbr.abs _section_cstart, $3  }
0xc7: {  	[dreg:$0x1] =	wrdreg $0xFFFFFFFF  }
0xc8: {  	_ =	task.clear_ibuf [dreg:s8], $0x2FFFF;
	_ =	strace $0x9FFFFFFF  }
0xc9: {  	(tm) =	ssettm $0x7FFFFFFF  }
tec
execute0_lowered:
.L_overlay_start_1:
0x0: {  	(tag) =	ssettag $0x1  }
0x1: {  	v0 =	vimm.s32 $0x1380  }
0x2: {  	vm14 =	vcmask $0x300;
	vm13 =	vcmask $0x704;
	vm12 =	vcmask $0xB08  }
0x3: {  	vm11 =	vcmask $0xF0C;
	vm10 =	vcmask $0x1310;
	vm9 =	vcmask $0x1714  }
0x4: {  	vm8 =	vcmask $0x1B18;
	vm7 =	vcmask $0x1F1C;
	vm6 =	vcmask $0x2320  }
0x5: {  	vm5 =	vcmask $0x2724;
	vm4 =	vcmask $0x2B28;
	vm3 =	vcmask $0x2F2C  }
0x6: {  	vm2 =	vcmask $0x3330;
	vm1 =	vcmask $0x3734;
	vm0 =	vcmask $0x3B38  }
0x7: {  	v1 =	vimm.s32 $0x1381;
	v2 =	vimm.s32 $0x1382;
	v3 =	vimm.s32 $0x1383  }
0x8: {  	v0 =	vsel vm14, $0x0, v0;
	v1 =	vsel vm14, $0x1, v1;
	v2 =	vsel vm14, $0x2, v2  }
0x9: {  	v3 =	vsel vm14, $0x3, v3;
	v0 =	vsel vm13, $0x80, v0;
	v1 =	vsel vm13, $0x81, v1  }
0xa: {  	v2 =	vsel vm13, $0x82, v2;
	v3 =	vsel vm13, $0x83, v3;
	v0 =	vsel vm12, $0x100, v0  }
0xb: {  	v1 =	vsel vm12, $0x101, v1;
	v2 =	vsel vm12, $0x102, v2;
	v3 =	vsel vm12, $0x103, v3  }
0xc: {  	v0 =	vsel vm11, $0x180, v0;
	v1 =	vsel vm11, $0x181, v1;
	v2 =	vsel vm11, $0x182, v2  }
0xd: {  	v3 =	vsel vm11, $0x183, v3;
	v0 =	vsel vm10, $0x200, v0;
	v1 =	vsel vm10, $0x201, v1  }
0xe: {  	v2 =	vsel vm10, $0x202, v2;
	v3 =	vsel vm10, $0x203, v3;
	v0 =	vsel vm9, $0x280, v0  }
0xf: {  	s0 =	rddreg [dreg:$0x0];
	v1 =	vsel vm9, $0x281, v1;
	v2 =	vsel vm9, $0x282, v2;
	v3 =	vsel vm9, $0x283, v3  }
0x10: {  	s7 =	rddreg [dreg:$0x1];
	v0 =	vsel vm8, $0x300, v0;
	v1 =	vsel vm8, $0x301, v1;
	v2 =	vsel vm8, $0x302, v2  }
0x11: {  	s8 =	rddreg [dreg:$0x2];
	s3 =	srdreg.scid;
	v3 =	vsel vm8, $0x303, v3;
	v0 =	vsel vm7, $0x380, v0;
	v1 =	vsel vm7, $0x381, v1  }
0x12: {  	s1 =	rddreg [dreg:$0x3];
	s2 =	stileid.u32;
	s12 =	simm.s32 $0x1080;
	v2 =	vsel vm7, $0x382, v2;
	v3 =	vsel vm7, $0x383, v3;
	v0 =	vsel vm6, $0x1000, v0  }
0x13: {  	s13 =	simm.s32 $0x1;
	s14 =	simm.s32 $0x3080;
	s15 =	simm.s32 $0x2;
	v1 =	vsel vm6, $0x1001, v1;
	v2 =	vsel vm6, $0x1002, v2;
	v3 =	vsel vm6, $0x1003, v3  }
0x14: {  	s16 =	simm.s32 $0x5080;
	s17 =	simm.s32 $0x5280;
	s18 =	simm.s32 $0x0;
	v0 =	vsel vm5, $0x1080, v0;
	v1 =	vsel vm5, $0x1081, v1;
	v2 =	vsel vm5, $0x1082, v2  }
0x15: {  	s4 =	sand.u32 $0x1, s3;
	s3 =	simm.s32 $0x0;
	s5 =	sshll.u32 s2, $0xA;
	v3 =	vsel vm5, $0x1083, v3;
	v0 =	vsel vm4, $0x1100, v0;
	v1 =	vsel vm4, $0x1101, v1  }
0x16: {  	s6 =	sshll.u32 s4, $0x9;
	[smem:$0x7FF] =	sst s3;
	s29 =	ssub.s32 $0x2, s4;
	v2 =	vsel vm4, $0x1102, v2;
	v3 =	vsel vm4, $0x1103, v3;
	v0 =	vsel vm3, $0x1180, v0  }
0x17: {  	s4 =	sadd.s32 $0x200, s0;
	s9 =	sor.u32 s6, s5;
	_ =	strace $0x80000047;
	v1 =	vsel vm3, $0x1181, v1;
	v2 =	vsel vm3, $0x1182, v2;
	v3 =	vsel vm3, $0x1183, v3  }
0x18: {  	s31 =	sshrl.u32 s29, $0x1;
	s30 =	sshll.u32 s9, $0x6;
	s9 =	sshrl.u32 s9, $0x3;
	v0 =	vsel vm2, $0x1200, v0;
	v1 =	vsel vm2, $0x1201, v1;
	v2 =	vsel vm2, $0x1202, v2  }
0x19: {  	s11 =	ssub.s32 s29, s31;
	s10 =	sadd.s32 s30, s0;
	s7 =	sadd.s32 s7, s9;
	v3 =	vsel vm2, $0x1203, v3;
	v0 =	vsel vm1, $0x1280, v0;
	v1 =	vsel vm1, $0x1281, v1  }
0x1a: {  	s8 =	sadd.s32 s8, s9;
	s9 =	smax.u32 s11, $0x1;
	s11 =	simm.s32 $0x1000;
	v2 =	vsel vm1, $0x1282, v2;
	v3 =	vsel vm1, $0x1283, v3;
	v0 =	vsel vm0, $0x1300, v0  }
0x1b: {  	s5 =	sadd.s32 $0x400, s10;
	s6 =	sadd.s32 $0xC00, s10;
	s10 =	simm.s32 $0x3;
	v1 =	vsel vm0, $0x1301, v1;
	v2 =	vsel vm0, $0x1302, v2;
	v3 =	vsel vm0, $0x1303, v3  }
.LBB2_1:
0x1c: {  	[tilespmem:s3], [sflag:$0x3] =	stream.linear.gather [hbm4b:s4+s3], $0x1000, $0x38;
	[tilespmem:$0x5480] =	vst v63  }
0x1d: {  	_ =	swait.ge [sflag:s10], $0x1000  }
0x1e: {  	[sflag:s10] =	ssyncset.done $0x0  }
0x1f: {  	[sflag:s10] =	ssyncadd.s32 $0xFFFFF000  }
0x20: {  	[tilespmem:s11], [sflag:$0x3] =	stream.linear.gather [hbm4b:s0+s3], $0x80, $0x38;
	[tilespmem:$0x5480] =	vst v63  }
0x21: {  	_ =	swait.ge [sflag:s10], $0x80  }
0x22: {  	[sflag:s10] =	ssyncset.done $0x0  }
0x23: {  	[sflag:s10] =	ssyncadd.s32 $0xFFFFFF80  }
0x24: {  	v5 =	vld [tilespmem:$0x1000];
	_ =	sdelay $0x3  }
0x25: {  	s19 =	simm.s32 $0x0  }
0x26: {  	[tilespmem:s12], [sflag:$0x1] =	stream.linear.gather [hbm4b:s5+s3], $0x2000, $0x38;
	v4 =	vbroadcast v5, $0x0;
	v5 =	vbroadcast v5, $0x1;
	[tilespmem:$0x5480] =	vst v63  }
.LBB2_2:
0x27: {  	s20 =	simm.s32 $0x4  }
0x28: {  	v6 =	vmov s20  }
0x29: {  	s21 =	simm.s32 $0x0;
	v7 =	vshll.u32 v6, $0x3  }
0x2a: {  	v8 =	vmov s21;
	v6 =	vand.u32 $0x74, v6;
	v7 =	vand.u32 $0xC00, v7  }
0x2b: {  	v9 =	vshll.u32 v8, $0x3;
	v6 =	vor.u32 v6, v7  }
0x2c: {  	s31 =	simm.s32 $0x8;
	v8 =	vand.u32 $0x70, v8;
	v9 =	vand.u32 $0xC00, v9;
	v7 =	vor.u32 v0, v6  }
0x2d: {  	_ =	swait.ge [sflag:s13], $0x2000;
	s30 =	simm.s32 $0xC;
	s20 =	sshllo.u32 s19, $0x1;
	v11 =	vmov s31;
	v8 =	vor.u32 v8, v9;
	v9 =	vor.u32 v2, v6  }
0x2e: {  	[sflag:s13] =	ssyncset.done $0x0;
	v10 =	vmov s30;
	s22 =	sshll.u32 s20, $0xA;
	v13 =	vshll.u32 v11, $0x3;
	v15 =	vor.u32 v0, v8  }
0x2f: {  	[sflag:s13] =	ssyncadd.s32 $0xFFFFE000;
	v14 =	vshll.u32 v10, $0x3;
	v10 =	vand.u32 $0x7C, v10;
	s29 =	sadd.s32 s22, s5;
	v12 =	vor.u32 v3, v8  }
0x30: {  	v11 =	vand.u32 $0x78, v11;
	v14 =	vand.u32 $0xC00, v14;
	[tilespmem:s14], [sflag:$0x2] =	stream.linear.gather [hbm4b:s29+s3], $0x2000, $0x38;
	v17 =	vor.u32 v1, v6;
	[tilespmem:$0x5480] =	vst v63  }
0x31: {  	v13 =	vand.u32 $0xC00, v13;
	v10 =	vor.u32 v10, v14;
	v16 =	vor.u32 v1, v8;
	v7 =	vld.idx.msk [tilespmem:v7+s12+$0x0], $0xffff  }
0x32: {  	v13 =	vor.u32 v11, v13;
	v14 =	vor.u32 v0, v10;
	v19 =	vld.idx.msk [tilespmem:v9+s12+$0x0], $0xffff  }
0x33: {  	v21 =	vor.u32 v2, v13;
	v11 =	vld.idx.msk [tilespmem:v15+s12+$0x0], $0xffff  }
0x34: {  	v8 =	vor.u32 v2, v8;
	v20 =	vld.idx.msk [tilespmem:v12+s12+$0x0], $0xffff  }
0x35: {  	v12 =	vor.u32 v0, v13;
	v17 =	vld.idx.msk [tilespmem:v17+s12+$0x0], $0xffff  }
0x36: {  	v15 =	vor.u32 v1, v13;
	v16 =	vld.idx.msk [tilespmem:v16+s12+$0x0], $0xffff  }
0x37: {  	v6 =	vor.u32 v3, v6;
	v14 =	vld.idx.msk [tilespmem:v14+s12+$0x0], $0xffff  }
0x38: {  	v26 =	vld.idx.msk [tilespmem:v21+s12+$0x0], $0xffff;
	v24 =	vand.u32 $0xFFF, v11  }
0x39: {  	v32 =	vld.idx.msk [tilespmem:v8+s12+$0x0], $0xffff;
	v18 =	vshrl.u32 v7, $0x10;
	v7 =	vand.u32 $0xFFF, v7  }
0x3a: {  	v12 =	vld.idx.msk [tilespmem:v12+s12+$0x0], $0xffff;
	v21 =	vand.u32 $0xFFF, v17  }
0x3b: {  	v25 =	vld.idx.msk [tilespmem:v15+s12+$0x0], $0xffff;
	v9 =	vand.u32 $0xFFF, v18  }
0x3c: {  	v15 =	vld.idx.msk [tilespmem:v6+s12+$0x0], $0xffff;
	v17 =	vshrl.u32 v17, $0x10;
	v18 =	vor.u32 v2, v10  }
0x3d: {  	v17 =	vand.u32 $0xFFF, v17;
	v24 =	vld.idx.msk [tilespmem:v24+s3+$0x0], $0xffff  }
0x3e: {  	v22 =	vor.u32 v3, v10;
	v7 =	vld.idx.msk [tilespmem:v7+s3+$0x0], $0xffff  }
0x3f: {  	v29 =	vand.u32 $0xFFF, v19;
	v21 =	vld.idx.msk [tilespmem:v21+s3+$0x0], $0xffff  }
0x40: {  	v11 =	vshrl.u32 v11, $0x10;
	v30 =	vand.u32 $0xFFF, v20;
	v23 =	vld.idx.msk [tilespmem:v9+s3+$0x0], $0xffff  }
0x41: {  	v9 =	vld.idx.msk [tilespmem:v18+s12+$0x0], $0xffff;
	v18 =	vand.u32 $0xFFF, v11;
	v11 =	vshrl.u32 v16, $0x10  }
0x42: {  	v8 =	vor.u32 v3, v13;
	v33 =	vld.idx.msk [tilespmem:v17+s3+$0x0], $0xffff;
	v6 =	vand.u32 $0xFFF, v11  }
0x43: {  	v13 =	vshrl.u32 v19, $0x10;
	v16 =	vand.u32 $0xFFF, v16;
	v11 =	vld.idx.msk [tilespmem:v22+s12+$0x0], $0xffff;
	v22 =	vshrl.u32 v12, $0x10  }
0x44: {  	v34 =	vand.u32 $0xFFF, v12;
	v17 =	vld.idx.msk [tilespmem:v29+s3+$0x0], $0xffff;
	v12 =	vshrl.u32 v25, $0x10;
	v22 =	vand.u32 $0xFFF, v22  }
0x45: {  	v10 =	vor.u32 v1, v10;
	v19 =	vand.u32 $0xFFF, v12;
	v12 =	vand.u32 $0xFFF, v13;
	v13 =	vld.idx.msk [tilespmem:v30+s3+$0x0], $0xffff  }
0x46: {  	v29 =	vand.u32 $0xFFF, v14;
	v27 =	vld.idx.msk [tilespmem:v18+s3+$0x0], $0xffff  }
0x47: {  	v28 =	vld.idx.msk [tilespmem:v6+s3+$0x0], $0xffff;
	v6 =	vshrl.u32 v15, $0x10  }
0x48: {  	v16 =	vld.idx.msk [tilespmem:v16+s3+$0x0], $0xffff;
	v31 =	vand.u32 $0xFFF, v6  }
0x49: {  	v35 =	vshrl.u32 v20, $0x10;
	v37 =	vshrl.u32 v26, $0x10;
	v18 =	vld.idx.msk [tilespmem:v22+s3+$0x0], $0xffff  }
0x4a: {  	v38 =	vand.u32 $0xFFF, v25;
	v30 =	vand.u32 $0xFFF, v32;
	v22 =	vld.idx.msk [tilespmem:v10+s12+$0x0], $0xffff;
	v10 =	vshrl.u32 v14, $0x10  }
0x4b: {  	v20 =	vshrl.u32 v9, $0x10;
	v7 =	vadd.s32 v7, v23;
	v25 =	vld.idx.msk [tilespmem:v29+s3+$0x0], $0xffff;
	v36 =	vand.u32 $0xFFF, v10  }
0x4c: {  	v29 =	vand.u32 $0xFFF, v35;
	v39 =	vshrl.u32 v11, $0x10;
	v14 =	vadd.s32 v24, v27;
	v24 =	vld.idx.msk [tilespmem:v34+s3+$0x0], $0xffff  }
0x4d: {  	v7 =	vadd.s32 v21, v7;
	v14 =	vadd.s32 v16, v14;
	v10 =	vld.idx.msk [tilespmem:v31+s3+$0x0], $0xffff;
	v31 =	vand.u32 $0xFFF, v26  }
0x4e: {  	v20 =	vand.u32 $0xFFF, v20;
	v16 =	vadd.s32 v28, v14;
	v14 =	vld.idx.msk [tilespmem:v19+s3+$0x0], $0xffff;
	v28 =	vand.u32 $0xFFF, v37  }
0x4f: {  	v6 =	vimm.s32 $0x0;
	v21 =	vadd.s32 v33, v7;
	v19 =	vshrl.u32 v32, $0x10;
	v26 =	vld.idx.msk [tilespmem:v38+s3+$0x0], $0xffff  }
0x50: {  	s21 =	simm.s32 $0x0;
	s22 =	simm.s32 $0x1C;
	v7 =	vimm.s32 $0x0;
	v27 =	vld.idx.msk [tilespmem:v36+s3+$0x0], $0xffff;
	v23 =	vand.u32 $0xFFF, v19;
	v19 =	vand.u32 $0xFFF, v39  }
.LBB2_3:
0x51: {  	s23 =	sadd.s32 $0xFFFFFFF4, s22;
	s24 =	sadd.s32 $0xFFFFFFF8, s22;
	s25 =	sadd.s32 $0xFFFFFFFC, s22;
	v32 =	vmov s22;
	v30 =	vld.idx.msk [tilespmem:v30+s3+$0x0], $0xffff;
	v15 =	vand.u32 $0xFFF, v15;
	v33 =	vshrl.u32 v22, $0x10  }
0x52: {  	s21 =	sadd.s32 $0x4, s21;
	v22 =	vand.u32 $0xFFF, v22;
	v34 =	vmov s23;
	v35 =	vmov s24;
	v31 =	vld.idx.msk [tilespmem:v31+s3+$0x0], $0xffff  }
0x53: {  	v18 =	vadd.s32 v24, v18;
	p0 =	slt.u32 s21, $0x7C;
	v36 =	vand.u32 $0x74, v35;
	v35 =	vshll.u32 v35, $0x3;
	v24 =	vld.idx.msk [tilespmem:v28+s3+$0x0], $0xffff  }
0x54: {  	v33 =	vand.u32 $0xFFF, v33;
	v28 =	vand.u32 $0x70, v34;
	v35 =	vand.u32 $0xC00, v35;
	v8 =	vld.idx.msk [tilespmem:v8+s12+$0x0], $0xffff  }
0x55: {  	v25 =	vadd.s32 v25, v27;
	v35 =	vor.u32 v36, v35;
	v36 =	vmov s25;
	v29 =	vld.idx.msk [tilespmem:v29+s3+$0x0], $0xffff  }
0x56: {  	v9 =	vand.u32 $0xFFF, v9;
	v37 =	vshll.u32 v32, $0x3;
	v27 =	vshll.u32 v36, $0x3;
	v12 =	vld.idx.msk [tilespmem:v12+s3+$0x0], $0xffff  }
0x57: {  	v34 =	vshll.u32 v34, $0x3;
	v18 =	vadd.s32 v26, v18;
	v38 =	vor.u32 v0, v35;
	v15 =	vld.idx.msk [tilespmem:v15+s3+$0x0], $0xffff  }
0x58: {  	v17 =	vadd.s32 v17, v21;
	v26 =	vand.u32 $0xC00, v34;
	v34 =	vand.u32 $0xC00, v37;
	v21 =	vld.idx.msk [tilespmem:v22+s3+$0x0], $0xffff  }
0x59: {  	v11 =	vand.u32 $0xFFF, v11;
	v22 =	vor.u32 v28, v26;
	v26 =	vand.u32 $0x7C, v32;
	v28 =	vld.idx.msk [tilespmem:v33+s3+$0x0], $0xffff  }
0x5a: {  	v27 =	vand.u32 $0xC00, v27;
	v32 =	vor.u32 v1, v35;
	v33 =	vshrl.u32 v8, $0x10;
	v23 =	vld.idx.msk [tilespmem:v23+s3+$0x0], $0xffff  }
0x5b: {  	v37 =	vor.u32 v2, v35;
	v26 =	vor.u32 v26, v34;
	v34 =	vand.u32 $0xFFF, v8;
	v9 =	vld.idx.msk [tilespmem:v9+s3+$0x0], $0xffff  }
0x5c: {  	v39 =	vor.u32 v3, v22;
	v8 =	vand.u32 $0x78, v36;
	v33 =	vand.u32 $0xFFF, v33;
	v38 =	vld.idx.msk [tilespmem:v38+s12+$0x0], $0xffff  }
0x5d: {  	v35 =	vor.u32 v3, v35;
	v36 =	vor.u32 v0, v22;
	v40 =	vor.u32 v3, v26;
	v20 =	vld.idx.msk [tilespmem:v20+s3+$0x0], $0xffff  }
0x5e: {  	v27 =	vor.u32 v8, v27;
	v41 =	vor.u32 v2, v26;
	v12 =	vadd.s32 v12, v17;
	v11 =	vld.idx.msk [tilespmem:v11+s3+$0x0], $0xffff  }
0x5f: {  	v16 =	vadd.s32 v30, v16;
	v17 =	vor.u32 v2, v22;
	v8 =	vor.u32 v3, v27;
	v19 =	vld.idx.msk [tilespmem:v19+s3+$0x0], $0xffff  }
0x60: {  	v22 =	vor.u32 v1, v22;
	v21 =	vadd.s32 v21, v25;
	v16 =	vadd.s32 v23, v16;
	v23 =	vld.idx.msk [tilespmem:v34+s3+$0x0], $0xffff  }
0x61: {  	v25 =	vor.u32 v0, v26;
	v21 =	vadd.s32 v28, v21;
	v13 =	vadd.s32 v13, v16;
	v16 =	vld.idx.msk [tilespmem:v33+s3+$0x0], $0xffff  }
0x62: {  	v9 =	vadd.s32 v9, v21;
	v28 =	vshrl.u32 v38, $0x10;
	v13 =	vadd.s32 v29, v13;
	v30 =	vld.idx.msk [tilespmem:v37+s12+$0x0], $0xffff  }
0x63: {  	v12 =	vadd.s32 v15, v12;
	v28 =	vand.u32 $0xFFF, v28;
	v9 =	vadd.s32 v20, v9;
	v21 =	vld.idx.msk [tilespmem:v39+s12+$0x0], $0xffff  }
0x64: {  	v29 =	vor.u32 v1, v27;
	v20 =	vor.u32 v0, v27;
	v9 =	vadd.s32 v11, v9;
	v15 =	vld.idx.msk [tilespmem:v36+s12+$0x0], $0xffff  }
0x65: {  	v14 =	vadd.s32 v14, v18;
	v18 =	vadd.s32 v19, v9;
	v11 =	vld.idx.msk [tilespmem:v22+s12+$0x0], $0xffff;
	v22 =	vshrl.u32 v13, $0x10  }
0x66: {  	v10 =	vadd.s32 v10, v12;
	v19 =	vand.u32 $0xFFF, v38;
	v13 =	vand.u32 $0xFFFF, v13;
	v32 =	vld.idx.msk [tilespmem:v32+s12+$0x0], $0xffff  }
0x67: {  	v33 =	vshrl.u32 v10, $0x10;
	v27 =	vor.u32 v2, v27;
	v9 =	vadd.s32 v31, v14;
	v25 =	vld.idx.msk [tilespmem:v25+s12+$0x0], $0xffff  }
0x68: {  	v9 =	vadd.s32 v24, v9;
	v12 =	vshrl.u32 v30, $0x10;
	v14 =	vld.idx.msk [tilespmem:v28+s3+$0x0], $0xffff  }
0x69: {  	v6 =	vadd.s32 v6, v22;
	v9 =	vadd.s32 v23, v9;
	v12 =	vand.u32 $0xFFF, v12;
	v20 =	vld.idx.msk [tilespmem:v20+s12+$0x0], $0xffff  }
0x6a: {  	v16 =	vadd.s32 v16, v9;
	v22 =	vand.u32 $0xFFF, v15;
	v15 =	vshrl.u32 v15, $0x10;
	v23 =	vld.idx.msk [tilespmem:v29+s12+$0x0], $0xffff  }
0x6b: {  	v28 =	vshrl.u32 v16, $0x10;
	v24 =	vand.u32 $0xFFF, v11;
	v11 =	vshrl.u32 v11, $0x10;
	v9 =	vld.idx.msk [tilespmem:v41+s12+$0x0], $0xffff  }
0x6c: {  	v16 =	vand.u32 $0xFFFF, v16;
	v29 =	vand.u32 $0xFFF, v15;
	v31 =	vand.u32 $0xFFF, v32;
	v27 =	vld.idx.msk [tilespmem:v27+s12+$0x0], $0xffff  }
0x6d: {  	v6 =	vadd.s32 v33, v6;
	v34 =	vand.u32 $0xFFF, v11;
	v15 =	vld.idx.msk [tilespmem:v35+s12+$0x0], $0xffff;
	v35 =	vshrl.u32 v25, $0x10  }
0x6e: {  	v7 =	vadd.s32 v7, v13;
	v13 =	vshrl.u32 v18, $0x10;
	v6 =	vadd.s32 v28, v6;
	v11 =	vld.idx.msk [tilespmem:v40+s12+$0x0], $0xffff  }
0x6f: {  	v10 =	vand.u32 $0xFFFF, v10;
	v6 =	vadd.s32 v13, v6;
	v28 =	vshrl.u32 v20, $0x10;
	v22 =	vld.idx.msk [tilespmem:v22+s3+$0x0], $0xffff  }
0x70: {  	v7 =	vadd.s32 v10, v7;
	v13 =	vld.idx.msk [tilespmem:v19+s3+$0x0], $0xffff;
	v19 =	vand.u32 $0xFFF, v28  }
0x71: {  	v7 =	vadd.s32 v16, v7;
	v16 =	vand.u32 $0xFFFF, v18;
	v28 =	vshrl.u32 v32, $0x10;
	v10 =	vld.idx.msk [tilespmem:v29+s3+$0x0], $0xffff  }
0x72: {  	v7 =	vadd.s32 v16, v7;
	v29 =	vshrl.u32 v21, $0x10;
	v28 =	vand.u32 $0xFFF, v28;
	v31 =	vld.idx.msk [tilespmem:v31+s3+$0x0], $0xffff  }
0x73: {  	v26 =	vor.u32 v1, v26;
	v32 =	vshrl.u32 v9, $0x10;
	v18 =	vshrl.u32 v15, $0x10;
	v16 =	vld.idx.msk [tilespmem:v34+s3+$0x0], $0xffff  }
0x74: {  	v30 =	vand.u32 $0xFFF, v30;
	v21 =	vand.u32 $0xFFF, v21;
	v33 =	vand.u32 $0xFFF, v18;
	v24 =	vld.idx.msk [tilespmem:v24+s3+$0x0], $0xffff  }
0x75: {  	v34 =	vshrl.u32 v11, $0x10;
	v18 =	vld.idx.msk [tilespmem:v19+s3+$0x0], $0xffff;
	v19 =	vshrl.u32 v27, $0x10  }
0x76: {  	v14 =	vadd.s32 v13, v14;
	v36 =	vld.idx.msk [tilespmem:v17+s12+$0x0], $0xffff  }
0x77: {  	v20 =	vand.u32 $0xFFF, v20;
	v13 =	vshrl.u32 v23, $0x10;
	v10 =	vadd.s32 v22, v10;
	v28 =	vld.idx.msk [tilespmem:v28+s3+$0x0], $0xffff  }
0x78: {  	v37 =	vand.u32 $0xFFF, v13;
	v22 =	vld.idx.msk [tilespmem:v26+s12+$0x0], $0xffff  }
0x79: {  	v25 =	vand.u32 $0xFFF, v25;
	v17 =	vld.idx.msk [tilespmem:v30+s3+$0x0], $0xffff  }
0x7a: {  	v26 =	vand.u32 $0xFFF, v35;
	v10 =	vadd.s32 v24, v10;
	v13 =	vld.idx.msk [tilespmem:v21+s3+$0x0], $0xffff  }
0x7b: {  	v16 =	vadd.s32 v16, v10;
	v10 =	vld.idx.msk [tilespmem:v33+s3+$0x0], $0xffff;
	v33 =	vand.u32 $0xFFF, v23  }
.Ltmp0:
0x7c: {  	v14 =	vadd.s32 v31, v14;
	v30 =	vand.u32 $0xFFF, v36;
	v23 =	vshrl.u32 v36, $0x10;
	v24 =	vld.idx.msk [tilespmem:v20+s3+$0x0], $0xffff;
	(pc) =	sbr.rel @p0 .LBB2_3-.Ltmp0, $4  }
0x7d: {  	v31 =	vand.u32 $0xFFF, v27;
	v21 =	vadd.s32 v28, v14;
	v14 =	vld.idx.msk [tilespmem:v37+s3+$0x0], $0xffff  }
0x7e: {  	v28 =	vand.u32 $0xFFF, v19;
	v25 =	vld.idx.msk [tilespmem:v25+s3+$0x0], $0xffff  }
0x7f: {  	v20 =	vand.u32 $0xFFF, v32;
	v27 =	vld.idx.msk [tilespmem:v26+s3+$0x0], $0xffff  }
0x80: {  	s22 =	sadd.s32 $0x10, s22;
	v29 =	vand.u32 $0xFFF, v29;
	v23 =	vand.u32 $0xFFF, v23;
	v19 =	vand.u32 $0xFFF, v34;
	v26 =	vld.idx.msk [tilespmem:v33+s3+$0x0], $0xffff  }
0x81: {  	_ =	sdelay $0x3  }
0x82: {  	v30 =	vld.idx.msk [tilespmem:v30+s3+$0x0], $0xffff  }
0x83: {  	v31 =	vld.idx.msk [tilespmem:v31+s3+$0x0], $0xffff  }
0x84: {  	v28 =	vld.idx.msk [tilespmem:v28+s3+$0x0], $0xffff  }
0x85: {  	v32 =	vshrl.u32 v22, $0x10;
	v22 =	vand.u32 $0xFFF, v22;
	v8 =	vld.idx.msk [tilespmem:v8+s12+$0x0], $0xffff  }
0x86: {  	v29 =	vld.idx.msk [tilespmem:v29+s3+$0x0], $0xffff;
	v32 =	vand.u32 $0xFFF, v32  }
0x87: {  	v12 =	vld.idx.msk [tilespmem:v12+s3+$0x0], $0xffff;
	v9 =	vand.u32 $0xFFF, v9  }
0x88: {  	v15 =	vand.u32 $0xFFF, v15;
	v23 =	vld.idx.msk [tilespmem:v23+s3+$0x0], $0xffff  }
0x89: {  	v11 =	vand.u32 $0xFFF, v11;
	v20 =	vld.idx.msk [tilespmem:v20+s3+$0x0], $0xffff  }
0x8a: {  	v22 =	vld.idx.msk [tilespmem:v22+s3+$0x0], $0xffff;
	v33 =	vshrl.u32 v8, $0x10;
	v8 =	vand.u32 $0xFFF, v8  }
0x8b: {  	v32 =	vld.idx.msk [tilespmem:v32+s3+$0x0], $0xffff;
	v33 =	vand.u32 $0xFFF, v33  }
0x8c: {  	v9 =	vld.idx.msk [tilespmem:v9+s3+$0x0], $0xffff  }
0x8d: {  	v15 =	vld.idx.msk [tilespmem:v15+s3+$0x0], $0xffff  }
0x8e: {  	v18 =	vadd.s32 v24, v18;
	v17 =	vadd.s32 v17, v21;
	v24 =	vadd.s32 v25, v27;
	v11 =	vld.idx.msk [tilespmem:v11+s3+$0x0], $0xffff  }
0x8f: {  	v18 =	vadd.s32 v26, v18;
	v16 =	vadd.s32 v30, v16;
	v8 =	vld.idx.msk [tilespmem:v8+s3+$0x0], $0xffff;
	v21 =	vadd.s32 v22, v24  }
0x90: {  	v12 =	vadd.s32 v12, v17;
	v16 =	vadd.s32 v23, v16;
	v17 =	vld.idx.msk [tilespmem:v33+s3+$0x0], $0xffff;
	v21 =	vadd.s32 v32, v21  }
0x91: {  	v19 =	vld.idx.msk [tilespmem:v19+s3+$0x0], $0xffff;
	v14 =	vadd.s32 v14, v18;
	v13 =	vadd.s32 v13, v16;
	v9 =	vadd.s32 v9, v21  }
0x92: {  	v14 =	vadd.s32 v31, v14;
	v13 =	vadd.s32 v29, v13;
	v9 =	vadd.s32 v20, v9  }
0x93: {  	v12 =	vadd.s32 v15, v12;
	v9 =	vadd.s32 v11, v9;
	v11 =	vadd.s32 v28, v14  }
0x94: {  	v10 =	vadd.s32 v10, v12;
	v14 =	vand.u32 $0xFFFF, v13;
	v8 =	vadd.s32 v8, v11  }
0x95: {  	v7 =	vadd.s32 v7, v14;
	v11 =	vand.u32 $0xFFFF, v10;
	v8 =	vadd.s32 v17, v8  }
0x96: {  	v9 =	vadd.s32 v19, v9;
	v7 =	vadd.s32 v11, v7;
	v12 =	vand.u32 $0xFFFF, v8  }
0x97: {  	v11 =	vand.u32 $0xFFFF, v9;
	v7 =	vadd.s32 v12, v7  }
0x98: {  	v7 =	vadd.s32 v11, v7  }
0x99: {  	v7 =	vcvt.s32.f32 v7;
	_ =	sdelay $0x1  }
0x9a: {  	v7 =	vmul.f32 v7, v5;
	_ =	sdelay $0x1  }
0x9b: {  	v7 =	vmul.f32 $1.442695020e+00, v7  }
0x9c: {  	v11 =	vshrl.u32 v13, $0x10  }
0x9d: {  	v6 =	vadd.s32 v6, v11;
	(erf) = vpow2.f32 v7;
	v7 =	vshrl.u32 v10, $0x10  }
0x9e: {  	v8 =	vshrl.u32 v8, $0x10;
	v6 =	vadd.s32 v7, v6  }
0x9f: {  	v7 =	vshrl.u32 v9, $0x10;
	v6 =	vadd.s32 v8, v6  }
0xa0: {  	v6 =	vadd.s32 v7, v6  }
0xa1: {  	s31 =	simm.s32 $0x8;
	v6 =	vcvt.s32.f32 v6  }
0xa2: {  	v11 =	vmov s31  }
0xa3: {  	s30 =	simm.s32 $0xC;
	v13 =	vshll.u32 v11, $0x3;
	v6 =	vmul.f32 v6, v4  }
0xa4: {  	s21 =	simm.s32 $0x4;
	v11 =	vand.u32 $0x78, v11;
	v13 =	vand.u32 $0xC00, v13;
	v10 =	vmov s30  }
0xa5: {  	v13 =	vor.u32 v11, v13;
	v14 =	vshll.u32 v10, $0x3;
	v7 =	vmov s21  }
0xa6: {  	s28 =	sshll.u32 s19, $0x5;
	v10 =	vand.u32 $0x7C, v10;
	v14 =	vand.u32 $0xC00, v14;
	v8 =	vshll.u32 v7, $0x3  }
0xa7: {  	s29 =	simm.s32 $0x0;
	v10 =	vor.u32 v10, v14;
	v7 =	vand.u32 $0x74, v7;
	v8 =	vand.u32 $0xC00, v8;
	[tilespmem:s28+$0x5080] =	vst v6;
	v6 =	vpop (erf)  }
0xa8: {  	v14 =	vor.u32 v0, v10;
	[tilespmem:s28+$0x5280] =	vst v6;
	v6 =	vor.u32 v7, v8;
	v8 =	vmov s29  }
0xa9: {  	p0 =	seq.s32 s19, $0xF;
	v21 =	vor.u32 v2, v13;
	_ =	swait.ge [sflag:s15], $0x2000;
	v9 =	vshll.u32 v8, $0x3  }
0xaa: {  	s22 =	sshll.u32 @!p0 s19, $0xB;
	s23 =	simm.s32 @!p0 $0x1080;
	v7 =	vor.u32 v0, v6;
	v8 =	vand.u32 $0x70, v8;
	[sflag:s15] =	ssyncset.done $0x0;
	v9 =	vand.u32 $0xC00, v9  }
0xab: {  	s21 =	sadd.s32 @!p0 s22, s6;
	s22 =	simm.s32 @!p0 $0x0;
	v17 =	vor.u32 v1, v6;
	[sflag:s15] =	ssyncadd.s32 $0xFFFFE000;
	v8 =	vor.u32 v8, v9  }
0xac: {  	[tilespmem:s23], [sflag:$0x1] =	stream.linear.gather @!p0 [hbm4b:s21+s22], $0x2000, $0x38;
	v12 =	vor.u32 v3, v8;
	[tilespmem:$0x5480] =	vst v63  }
0xad: {  	v15 =	vor.u32 v0, v8;
	v14 =	vld.idx.msk [tilespmem:v14+s14+$0x0], $0xffff  }
0xae: {  	v9 =	vor.u32 v2, v6;
	v26 =	vld.idx.msk [tilespmem:v21+s14+$0x0], $0xffff  }
0xaf: {  	v16 =	vor.u32 v1, v8;
	v7 =	vld.idx.msk [tilespmem:v7+s14+$0x0], $0xffff  }
0xb0: {  	v8 =	vor.u32 v2, v8;
	v17 =	vld.idx.msk [tilespmem:v17+s14+$0x0], $0xffff  }
0xb1: {  	v20 =	vld.idx.msk [tilespmem:v12+s14+$0x0], $0xffff;
	v12 =	vor.u32 v0, v13  }
0xb2: {  	v11 =	vld.idx.msk [tilespmem:v15+s14+$0x0], $0xffff;
	v15 =	vor.u32 v1, v13  }
0xb3: {  	v6 =	vor.u32 v3, v6;
	v19 =	vld.idx.msk [tilespmem:v9+s14+$0x0], $0xffff  }
0xb4: {  	v16 =	vld.idx.msk [tilespmem:v16+s14+$0x0], $0xffff;
	v18 =	vshrl.u32 v7, $0x10;
	v7 =	vand.u32 $0xFFF, v7  }
0xb5: {  	v62 =	vld.idx.msk [tilespmem:v8+s14+$0x0], $0xffff;
	v21 =	vand.u32 $0xFFF, v17  }
0xb6: {  	v9 =	vand.u32 $0xFFF, v18;
	v12 =	vld.idx.msk [tilespmem:v12+s14+$0x0], $0xffff  }
0xb7: {  	v17 =	vshrl.u32 v17, $0x10;
	v18 =	vor.u32 v2, v10;
	v25 =	vld.idx.msk [tilespmem:v15+s14+$0x0], $0xffff  }
0xb8: {  	v17 =	vand.u32 $0xFFF, v17;
	v15 =	vld.idx.msk [tilespmem:v6+s14+$0x0], $0xffff  }
0xb9: {  	v22 =	vor.u32 v3, v10;
	v7 =	vld.idx.msk [tilespmem:v7+s3+$0x0], $0xffff  }
0xba: {  	v29 =	vand.u32 $0xFFF, v19;
	v21 =	vld.idx.msk [tilespmem:v21+s3+$0x0], $0xffff  }
0xbb: {  	v24 =	vand.u32 $0xFFF, v11;
	v11 =	vshrl.u32 v11, $0x10;
	v23 =	vld.idx.msk [tilespmem:v9+s3+$0x0], $0xffff  }
0xbc: {  	v9 =	vld.idx.msk [tilespmem:v18+s14+$0x0], $0xffff;
	v18 =	vand.u32 $0xFFF, v11  }
0xbd: {  	v11 =	vshrl.u32 v16, $0x10;
	v16 =	vand.u32 $0xFFF, v16;
	v63 =	vld.idx.msk [tilespmem:v17+s3+$0x0], $0xffff  }
0xbe: {  	v6 =	vand.u32 $0xFFF, v11;
	v11 =	vld.idx.msk [tilespmem:v22+s14+$0x0], $0xffff;
	v22 =	vshrl.u32 v12, $0x10  }
0xbf: {  	v17 =	vld.idx.msk [tilespmem:v29+s3+$0x0], $0xffff;
	v22 =	vand.u32 $0xFFF, v22  }
0xc0: {  	v10 =	vor.u32 v1, v10;
	v24 =	vld.idx.msk [tilespmem:v24+s3+$0x0], $0xffff  }
0xc1: {  	v30 =	vand.u32 $0xFFF, v20;
	v27 =	vld.idx.msk [tilespmem:v18+s3+$0x0], $0xffff  }
0xc2: {  	v8 =	vor.u32 v3, v13;
	v34 =	vand.u32 $0xFFF, v12;
	v16 =	vld.idx.msk [tilespmem:v16+s3+$0x0], $0xffff  }
0xc3: {  	v37 =	vshrl.u32 v26, $0x10;
	v29 =	vand.u32 $0xFFF, v14;
	v28 =	vld.idx.msk [tilespmem:v6+s3+$0x0], $0xffff;
	v6 =	vshrl.u32 v15, $0x10  }
0xc4: {  	v13 =	vshrl.u32 v19, $0x10;
	v12 =	vshrl.u32 v25, $0x10;
	v31 =	vand.u32 $0xFFF, v6;
	v18 =	vld.idx.msk [tilespmem:v22+s3+$0x0], $0xffff  }
0xc5: {  	v35 =	vshrl.u32 v20, $0x10;
	v19 =	vand.u32 $0xFFF, v12;
	v22 =	vld.idx.msk [tilespmem:v10+s14+$0x0], $0xffff;
	v10 =	vshrl.u32 v14, $0x10  }
0xc6: {  	v12 =	vand.u32 $0xFFF, v13;
	v13 =	vld.idx.msk [tilespmem:v30+s3+$0x0], $0xffff;
	v30 =	vand.u32 $0xFFF, v62;
	v36 =	vand.u32 $0xFFF, v10  }
0xc7: {  	v7 =	vadd.s32 v7, v23;
	v14 =	vadd.s32 v24, v27;
	v27 =	vand.u32 $0xFFF, v25;
	v24 =	vld.idx.msk [tilespmem:v34+s3+$0x0], $0xffff  }
0xc8: {  	v20 =	vshrl.u32 v9, $0x10;
	v38 =	vshrl.u32 v11, $0x10;
	v7 =	vadd.s32 v21, v7;
	v25 =	vld.idx.msk [tilespmem:v29+s3+$0x0], $0xffff  }
0xc9: {  	v20 =	vand.u32 $0xFFF, v20;
	v14 =	vadd.s32 v16, v14;
	v10 =	vld.idx.msk [tilespmem:v31+s3+$0x0], $0xffff;
	v31 =	vand.u32 $0xFFF, v26  }
0xca: {  	v6 =	vimm.s32 $0x0;
	v16 =	vadd.s32 v28, v14;
	v14 =	vld.idx.msk [tilespmem:v19+s3+$0x0], $0xffff;
	v28 =	vand.u32 $0xFFF, v37  }
0xcb: {  	v21 =	vadd.s32 v63, v7;
	v7 =	vimm.s32 $0x0;
	v19 =	vshrl.u32 v62, $0x10;
	v26 =	vld.idx.msk [tilespmem:v36+s3+$0x0], $0xffff  }
0xcc: {  	s20 =	sshll.u32 s20, $0x4;
	s21 =	simm.s32 $0x0;
	s22 =	simm.s32 $0x1C;
	v29 =	vand.u32 $0xFFF, v35;
	v23 =	vand.u32 $0xFFF, v19;
	v19 =	vand.u32 $0xFFF, v38;
	v27 =	vld.idx.msk [tilespmem:v27+s3+$0x0], $0xffff  }
.LBB2_5:
0xcd: {  	s23 =	sadd.s32 $0xFFFFFFF4, s22;
	s24 =	sadd.s32 $0xFFFFFFF8, s22;
	s25 =	sadd.s32 $0xFFFFFFFC, s22;
	v32 =	vmov s22;
	v30 =	vld.idx.msk [tilespmem:v30+s3+$0x0], $0xffff;
	v15 =	vand.u32 $0xFFF, v15;
	v33 =	vshrl.u32 v22, $0x10  }
0xce: {  	s21 =	sadd.s32 $0x4, s21;
	v22 =	vand.u32 $0xFFF, v22;
	v34 =	vmov s23;
	v35 =	vmov s24;
	v31 =	vld.idx.msk [tilespmem:v31+s3+$0x0], $0xffff  }
0xcf: {  	v18 =	vadd.s32 v24, v18;
	p0 =	slt.u32 s21, $0x7C;
	v36 =	vand.u32 $0x74, v35;
	v35 =	vshll.u32 v35, $0x3;
	v24 =	vld.idx.msk [tilespmem:v28+s3+$0x0], $0xffff  }
0xd0: {  	v33 =	vand.u32 $0xFFF, v33;
	v28 =	vand.u32 $0x70, v34;
	v35 =	vand.u32 $0xC00, v35;
	v8 =	vld.idx.msk [tilespmem:v8+s14+$0x0], $0xffff  }
0xd1: {  	v25 =	vadd.s32 v25, v26;
	v35 =	vor.u32 v36, v35;
	v36 =	vmov s25;
	v29 =	vld.idx.msk [tilespmem:v29+s3+$0x0], $0xffff  }
0xd2: {  	v9 =	vand.u32 $0xFFF, v9;
	v37 =	vshll.u32 v32, $0x3;
	v26 =	vshll.u32 v36, $0x3;
	v12 =	vld.idx.msk [tilespmem:v12+s3+$0x0], $0xffff  }
0xd3: {  	v34 =	vshll.u32 v34, $0x3;
	v18 =	vadd.s32 v27, v18;
	v38 =	vor.u32 v0, v35;
	v15 =	vld.idx.msk [tilespmem:v15+s3+$0x0], $0xffff  }
0xd4: {  	v17 =	vadd.s32 v17, v21;
	v27 =	vand.u32 $0xC00, v34;
	v34 =	vand.u32 $0xC00, v37;
	v21 =	vld.idx.msk [tilespmem:v22+s3+$0x0], $0xffff  }
0xd5: {  	v11 =	vand.u32 $0xFFF, v11;
	v22 =	vor.u32 v28, v27;
	v27 =	vand.u32 $0x7C, v32;
	v28 =	vld.idx.msk [tilespmem:v33+s3+$0x0], $0xffff  }
0xd6: {  	v26 =	vand.u32 $0xC00, v26;
	v32 =	vor.u32 v1, v35;
	v33 =	vshrl.u32 v8, $0x10;
	v23 =	vld.idx.msk [tilespmem:v23+s3+$0x0], $0xffff  }
0xd7: {  	v37 =	vor.u32 v2, v35;
	v27 =	vor.u32 v27, v34;
	v34 =	vand.u32 $0xFFF, v8;
	v9 =	vld.idx.msk [tilespmem:v9+s3+$0x0], $0xffff  }
0xd8: {  	v39 =	vor.u32 v3, v22;
	v8 =	vand.u32 $0x78, v36;
	v33 =	vand.u32 $0xFFF, v33;
	v38 =	vld.idx.msk [tilespmem:v38+s14+$0x0], $0xffff  }
0xd9: {  	v35 =	vor.u32 v3, v35;
	v36 =	vor.u32 v0, v22;
	v40 =	vor.u32 v3, v27;
	v20 =	vld.idx.msk [tilespmem:v20+s3+$0x0], $0xffff  }
0xda: {  	v26 =	vor.u32 v8, v26;
	v41 =	vor.u32 v2, v27;
	v12 =	vadd.s32 v12, v17;
	v11 =	vld.idx.msk [tilespmem:v11+s3+$0x0], $0xffff  }
0xdb: {  	v16 =	vadd.s32 v30, v16;
	v17 =	vor.u32 v2, v22;
	v8 =	vor.u32 v3, v26;
	v19 =	vld.idx.msk [tilespmem:v19+s3+$0x0], $0xffff  }
0xdc: {  	v22 =	vor.u32 v1, v22;
	v21 =	vadd.s32 v21, v25;
	v16 =	vadd.s32 v23, v16;
	v23 =	vld.idx.msk [tilespmem:v34+s3+$0x0], $0xffff  }
0xdd: {  	v25 =	vor.u32 v0, v27;
	v21 =	vadd.s32 v28, v21;
	v13 =	vadd.s32 v13, v16;
	v16 =	vld.idx.msk [tilespmem:v33+s3+$0x0], $0xffff  }
0xde: {  	v9 =	vadd.s32 v9, v21;
	v28 =	vshrl.u32 v38, $0x10;
	v13 =	vadd.s32 v29, v13;
	v30 =	vld.idx.msk [tilespmem:v37+s14+$0x0], $0xffff  }
0xdf: {  	v12 =	vadd.s32 v15, v12;
	v28 =	vand.u32 $0xFFF, v28;
	v9 =	vadd.s32 v20, v9;
	v21 =	vld.idx.msk [tilespmem:v39+s14+$0x0], $0xffff  }
0xe0: {  	v29 =	vor.u32 v1, v26;
	v20 =	vor.u32 v0, v26;
	v9 =	vadd.s32 v11, v9;
	v15 =	vld.idx.msk [tilespmem:v36+s14+$0x0], $0xffff  }
0xe1: {  	v14 =	vadd.s32 v14, v18;
	v18 =	vadd.s32 v19, v9;
	v11 =	vld.idx.msk [tilespmem:v22+s14+$0x0], $0xffff;
	v22 =	vshrl.u32 v13, $0x10  }
0xe2: {  	v10 =	vadd.s32 v10, v12;
	v19 =	vand.u32 $0xFFF, v38;
	v13 =	vand.u32 $0xFFFF, v13;
	v32 =	vld.idx.msk [tilespmem:v32+s14+$0x0], $0xffff  }
0xe3: {  	v33 =	vshrl.u32 v10, $0x10;
	v26 =	vor.u32 v2, v26;
	v9 =	vadd.s32 v31, v14;
	v25 =	vld.idx.msk [tilespmem:v25+s14+$0x0], $0xffff  }
0xe4: {  	v9 =	vadd.s32 v24, v9;
	v12 =	vshrl.u32 v30, $0x10;
	v14 =	vld.idx.msk [tilespmem:v28+s3+$0x0], $0xffff  }
0xe5: {  	v6 =	vadd.s32 v6, v22;
	v9 =	vadd.s32 v23, v9;
	v12 =	vand.u32 $0xFFF, v12;
	v20 =	vld.idx.msk [tilespmem:v20+s14+$0x0], $0xffff  }
0xe6: {  	v16 =	vadd.s32 v16, v9;
	v22 =	vand.u32 $0xFFF, v15;
	v15 =	vshrl.u32 v15, $0x10;
	v23 =	vld.idx.msk [tilespmem:v29+s14+$0x0], $0xffff  }
0xe7: {  	v28 =	vshrl.u32 v16, $0x10;
	v24 =	vand.u32 $0xFFF, v11;
	v11 =	vshrl.u32 v11, $0x10;
	v9 =	vld.idx.msk [tilespmem:v41+s14+$0x0], $0xffff  }
0xe8: {  	v16 =	vand.u32 $0xFFFF, v16;
	v29 =	vand.u32 $0xFFF, v15;
	v31 =	vand.u32 $0xFFF, v32;
	v26 =	vld.idx.msk [tilespmem:v26+s14+$0x0], $0xffff  }
0xe9: {  	v6 =	vadd.s32 v33, v6;
	v34 =	vand.u32 $0xFFF, v11;
	v15 =	vld.idx.msk [tilespmem:v35+s14+$0x0], $0xffff;
	v35 =	vshrl.u32 v25, $0x10  }
0xea: {  	v7 =	vadd.s32 v7, v13;
	v13 =	vshrl.u32 v18, $0x10;
	v6 =	vadd.s32 v28, v6;
	v11 =	vld.idx.msk [tilespmem:v40+s14+$0x0], $0xffff  }
0xeb: {  	v10 =	vand.u32 $0xFFFF, v10;
	v6 =	vadd.s32 v13, v6;
	v28 =	vshrl.u32 v20, $0x10;
	v22 =	vld.idx.msk [tilespmem:v22+s3+$0x0], $0xffff  }
0xec: {  	v7 =	vadd.s32 v10, v7;
	v13 =	vld.idx.msk [tilespmem:v19+s3+$0x0], $0xffff;
	v19 =	vand.u32 $0xFFF, v28  }
0xed: {  	v7 =	vadd.s32 v16, v7;
	v16 =	vand.u32 $0xFFFF, v18;
	v28 =	vshrl.u32 v32, $0x10;
	v10 =	vld.idx.msk [tilespmem:v29+s3+$0x0], $0xffff  }
0xee: {  	v7 =	vadd.s32 v16, v7;
	v29 =	vshrl.u32 v21, $0x10;
	v28 =	vand.u32 $0xFFF, v28;
	v31 =	vld.idx.msk [tilespmem:v31+s3+$0x0], $0xffff  }
0xef: {  	v27 =	vor.u32 v1, v27;
	v32 =	vshrl.u32 v9, $0x10;
	v18 =	vshrl.u32 v15, $0x10;
	v16 =	vld.idx.msk [tilespmem:v34+s3+$0x0], $0xffff  }
0xf0: {  	v30 =	vand.u32 $0xFFF, v30;
	v21 =	vand.u32 $0xFFF, v21;
	v33 =	vand.u32 $0xFFF, v18;
	v24 =	vld.idx.msk [tilespmem:v24+s3+$0x0], $0xffff  }
0xf1: {  	v34 =	vshrl.u32 v11, $0x10;
	v18 =	vld.idx.msk [tilespmem:v19+s3+$0x0], $0xffff;
	v19 =	vshrl.u32 v26, $0x10  }
0xf2: {  	v14 =	vadd.s32 v13, v14;
	v36 =	vld.idx.msk [tilespmem:v17+s14+$0x0], $0xffff  }
0xf3: {  	v20 =	vand.u32 $0xFFF, v20;
	v13 =	vshrl.u32 v23, $0x10;
	v10 =	vadd.s32 v22, v10;
	v28 =	vld.idx.msk [tilespmem:v28+s3+$0x0], $0xffff  }
0xf4: {  	v37 =	vand.u32 $0xFFF, v13;
	v22 =	vld.idx.msk [tilespmem:v27+s14+$0x0], $0xffff  }
0xf5: {  	v25 =	vand.u32 $0xFFF, v25;
	v17 =	vld.idx.msk [tilespmem:v30+s3+$0x0], $0xffff  }
0xf6: {  	v27 =	vand.u32 $0xFFF, v35;
	v10 =	vadd.s32 v24, v10;
	v13 =	vld.idx.msk [tilespmem:v21+s3+$0x0], $0xffff  }
0xf7: {  	v16 =	vadd.s32 v16, v10;
	v10 =	vld.idx.msk [tilespmem:v33+s3+$0x0], $0xffff;
	v33 =	vand.u32 $0xFFF, v23  }
.Ltmp1:
0xf8: {  	v14 =	vadd.s32 v31, v14;
	v30 =	vand.u32 $0xFFF, v36;
	v23 =	vshrl.u32 v36, $0x10;
	v24 =	vld.idx.msk [tilespmem:v20+s3+$0x0], $0xffff;
	(pc) =	sbr.rel @p0 .LBB2_5-.Ltmp1, $4  }
0xf9: {  	v31 =	vand.u32 $0xFFF, v26;
	v21 =	vadd.s32 v28, v14;
	v14 =	vld.idx.msk [tilespmem:v37+s3+$0x0], $0xffff  }
0xfa: {  	v28 =	vand.u32 $0xFFF, v19;
	v25 =	vld.idx.msk [tilespmem:v25+s3+$0x0], $0xffff  }
0xfb: {  	v20 =	vand.u32 $0xFFF, v32;
	v26 =	vld.idx.msk [tilespmem:v27+s3+$0x0], $0xffff  }
0xfc: {  	s22 =	sadd.s32 $0x10, s22;
	v29 =	vand.u32 $0xFFF, v29;
	v23 =	vand.u32 $0xFFF, v23;
	v19 =	vand.u32 $0xFFF, v34;
	v27 =	vld.idx.msk [tilespmem:v33+s3+$0x0], $0xffff  }
0xfd: {  	_ =	sdelay $0x3  }
0xfe: {  	v30 =	vld.idx.msk [tilespmem:v30+s3+$0x0], $0xffff  }
0xff: {  	v31 =	vld.idx.msk [tilespmem:v31+s3+$0x0], $0xffff  }
0x100: {  	v28 =	vld.idx.msk [tilespmem:v28+s3+$0x0], $0xffff  }
0x101: {  	v15 =	vand.u32 $0xFFF, v15;
	v8 =	vld.idx.msk [tilespmem:v8+s14+$0x0], $0xffff  }
0x102: {  	v54 =	vand.u32 $0xFFF, v22;
	v29 =	vld.idx.msk [tilespmem:v29+s3+$0x0], $0xffff  }
0x103: {  	v32 =	vshrl.u32 v22, $0x10;
	v12 =	vld.idx.msk [tilespmem:v12+s3+$0x0], $0xffff;
	v9 =	vand.u32 $0xFFF, v9  }
0x104: {  	v23 =	vld.idx.msk [tilespmem:v23+s3+$0x0], $0xffff;
	v32 =	vand.u32 $0xFFF, v32  }
0x105: {  	v11 =	vand.u32 $0xFFF, v11;
	v20 =	vld.idx.msk [tilespmem:v20+s3+$0x0], $0xffff  }
0x106: {  	v15 =	vld.idx.msk [tilespmem:v15+s3+$0x0], $0xffff;
	v33 =	vshrl.u32 v8, $0x10;
	v8 =	vand.u32 $0xFFF, v8  }
0x107: {  	v22 =	vld.idx.msk [tilespmem:v54+s3+$0x0], $0xffff;
	v33 =	vand.u32 $0xFFF, v33  }
0x108: {  	v9 =	vld.idx.msk [tilespmem:v9+s3+$0x0], $0xffff  }
0x109: {  	v32 =	vld.idx.msk [tilespmem:v32+s3+$0x0], $0xffff  }
0x10a: {  	v18 =	vadd.s32 v24, v18;
	v17 =	vadd.s32 v17, v21;
	v11 =	vld.idx.msk [tilespmem:v11+s3+$0x0], $0xffff;
	v16 =	vadd.s32 v30, v16  }
0x10b: {  	v55 =	vadd.s32 v25, v26;
	v18 =	vadd.s32 v27, v18;
	v16 =	vadd.s32 v23, v16;
	v8 =	vld.idx.msk [tilespmem:v8+s3+$0x0], $0xffff  }
0x10c: {  	v12 =	vadd.s32 v12, v17;
	v14 =	vadd.s32 v14, v18;
	v13 =	vadd.s32 v13, v16;
	v57 =	vld.idx.msk [tilespmem:v33+s3+$0x0], $0xffff  }
0x10d: {  	v19 =	vld.idx.msk [tilespmem:v19+s3+$0x0], $0xffff;
	v14 =	vadd.s32 v31, v14;
	v13 =	vadd.s32 v29, v13;
	v56 =	vadd.s32 v22, v55  }
0x10e: {  	v58 =	vadd.s32 v28, v14;
	v59 =	vand.u32 $0xFFFF, v13;
	v21 =	vadd.s32 v32, v56  }
0x10f: {  	v12 =	vadd.s32 v15, v12;
	v7 =	vadd.s32 v7, v59;
	v9 =	vadd.s32 v9, v21  }
0x110: {  	v10 =	vadd.s32 v10, v12;
	v9 =	vadd.s32 v20, v9;
	v8 =	vadd.s32 v8, v58  }
0x111: {  	v60 =	vand.u32 $0xFFFF, v10;
	v9 =	vadd.s32 v11, v9;
	v8 =	vadd.s32 v57, v8  }
0x112: {  	v7 =	vadd.s32 v60, v7;
	v9 =	vadd.s32 v19, v9;
	v61 =	vand.u32 $0xFFFF, v8  }
0x113: {  	v62 =	vand.u32 $0xFFFF, v9;
	v7 =	vadd.s32 v61, v7  }
0x114: {  	v7 =	vadd.s32 v62, v7  }
0x115: {  	v7 =	vcvt.s32.f32 v7;
	_ =	sdelay $0x1  }
0x116: {  	v7 =	vmul.f32 v7, v5;
	_ =	sdelay $0x1  }
0x117: {  	v7 =	vmul.f32 $1.442695020e+00, v7  }
0x118: {  	v63 =	vshrl.u32 v13, $0x10  }
0x119: {  	v6 =	vadd.s32 v6, v63;
	(erf) = vpow2.f32 v7;
	v7 =	vshrl.u32 v10, $0x10  }
0x11a: {  	v8 =	vshrl.u32 v8, $0x10;
	v6 =	vadd.s32 v7, v6  }
0x11b: {  	v7 =	vshrl.u32 v9, $0x10;
	v6 =	vadd.s32 v8, v6  }
0x11c: {  	v6 =	vadd.s32 v7, v6  }
0x11d: {  	v6 =	vcvt.s32.f32 v6  }
0x11e: {  	s19 =	sadd.s32 $0x1, s19  }
0x11f: {  	p0 =	sne.s32 s19, $0x10;
	v6 =	vmul.f32 v6, v4  }
.Ltmp2:
0x120: {  	_ = 	snop;
	(pc) =	sbr.rel @p0 .LBB2_2-.Ltmp2, $3  }
0x121: {  	_ =	sdelay $0x1  }
0x122: {  	[tilespmem:s20+$0x5080] =	vst v6;
	v6 =	vpop (erf)  }
0x123: {  	[tilespmem:s20+$0x5280] =	vst v6  }
0x124: {  	[hbm4b:s7+s3] =	stream.linear.scatter [tilespmem:s16], [sflag:$0x3], $0x200, $0x38;
	[tilespmem:$0x5480] =	vst v63  }
0x125: {  	s18 =	sadd.s32 $0x1, s18;
	_ =	swait.ge [sflag:s10], $0x200  }
0x126: {  	p0 =	sne.s32 s18, s9;
	[sflag:s10] =	ssyncset.done $0x0  }
.Ltmp3:
0x127: {  	[sflag:s10] =	ssyncadd.s32 $0xFFFFFE00;
	(pc) =	sbr.rel @p0 .LBB2_1-.Ltmp3, $4  }
0x128: {  	[hbm4b:s8+s3] =	stream.linear.scatter [tilespmem:s17], [sflag:$0x3], $0x200, $0x38;
	[tilespmem:$0x5480] =	vst v63  }
0x129: {  	_ =	swait.ge [sflag:s10], $0x200  }
0x12a: {  	[sflag:s10] =	ssyncset.done $0x0  }
0x12b: {  	[sflag:s10] =	ssyncadd.s32 $0xFFFFFE00  }
0x12c: {  	_ =	sfence.sel $0x180000  }
0x12d: {  	[bflag:$0x0] =	sbarrier.arrive $0xFFFF  }
0x12e: {  	p0 =	sne.s32 s2, $0x0;
	_ =	strace $0x90000047  }
0x12f: {  	s0 =	sadd.s32 @!p0 $0x100000, s1;
	[bflag:$0x2] =	sbarrier.arrive $0xFFFF  }
0x130: {  	[sflag:s0] =	ssyncadd.tile.s32 @!p0 $0x1;
	_ =	shalt  }
.Lfunc_end2:
_tile_overlayer_lowered:
.L_overlay_start_2:
0x131: {  	(tag) =	ssettag $0x2  }
0x132: {  	s0 =	rddreg [dreg:$0x0];
	s2 =	stileid.u32  }
0x133: {  	s1 =	rddreg [dreg:$0x1];
	p0 =	sne.s32 s2, $0x0  }
0x134: {  	s3 =	rddreg [dreg:$0x2];
	[bflag:$0x3] =	sbarrier.arrive $0xFFFF;
	s2 =	simm.s32 @!p0 $0x1C03  }
0x135: {  	[timem:s3], [sflag:s2] =	dma.local @!p0 [hbm:s0], s1  }
0x136: {  	s0 =	simm.s32 @!p0 $0x3  }
0x137: {  	_ =	swait.ge @!p0 [sflag:s0], s1  }
0x138: {  	s1 =	ssub.s32 @!p0 $0x0, s1;
	[sflag:s0] =	ssyncset.done @!p0 $0x0  }
0x139: {  	[sflag:s0] =	ssyncadd.s32 @!p0 s1  }
0x13a: {  	[bflag:$0x3] =	sbarrier.arrive $0xFFFF  }
0x13b: {  	_ =	shalt  }

</sc_bundles>
